<compile_context>
chip_gen: v7x
topology: tpu7x:2x2x1
jax: 0.10.2.dev20260603
libtpu: 0.0.44.dev20260713+nightly
codegen_flags: <defaults>
</compile_context>

<pallas_src>
import functools

import jax
import jax.numpy as jnp
from jax import lax
from jax.experimental import pallas as pl
from jax.experimental.pallas import tpu as pltpu
from jax.experimental.pallas import tpu_sc as plsc

_NC = 2
_NS = 16
_L = 16


def _gelu(x):
  return 0.5 * x * (1.0 + lax.erf(x * 0.7071067811865476))


def _gate_body(eat_ref, g1_ref, b1_ref, g2_ref, g2b_ref, out_ref):
  h = lax.dot_general(g1_ref[...], eat_ref[...], (((1,), (0,)), ((), ())),
                      preferred_element_type=jnp.float32)
  h = _gelu(h + b1_ref[...])
  gate = jnp.sum(h * g2_ref[...], axis=0, keepdims=True)
  out_ref[...] = jax.nn.sigmoid(gate + g2b_ref[0])[None]


def _final_body(acc_ref, deg_ref, xd_ref, ws_ref, wd_ref, b_ref, lng_ref,
                lnb_ref, out_ref):
  a = acc_ref[0] + acc_ref[1]
  dg = jnp.maximum(deg_ref[0] + deg_ref[1], 1.0)
  a = a / dg
  z = lax.dot_general(a, ws_ref[...], (((1,), (1,)), ((), ())),
                      preferred_element_type=jnp.float32)
  z = z + lax.dot_general(xd_ref[...], wd_ref[...], (((1,), (1,)), ((), ())),
                          preferred_element_type=jnp.float32)
  z = z + b_ref[...]
  mu = jnp.mean(z, axis=-1, keepdims=True)
  zc = z - mu
  var = jnp.mean(zc * zc, axis=-1, keepdims=True)
  zn = zc * lax.rsqrt(var + 1e-5) * lng_ref[...] + lnb_ref[...]
  out_ref[...] = _gelu(zn)


_NB = 4


def _sc_scatter_body(xsrc_hbm, sidx_hbm, didx_hbm, gate_hbm,
                     acc_hbm, deg_hbm, *refs):
  sidx_c = refs[0:_NB]
  didx_c = refs[_NB:2 * _NB]
  gate_c = refs[2 * _NB:3 * _NB]
  rows = refs[3 * _NB:4 * _NB]
  ones_v = refs[4 * _NB]
  acc_sh = refs[4 * _NB + 1]
  deg_sh = refs[4 * _NB + 2]
  sema = refs[4 * _NB + 3:5 * _NB + 3]
  semg = refs[5 * _NB + 3:6 * _NB + 3]
  sems = refs[6 * _NB + 3:7 * _NB + 3]

  n_pad = acc_sh.shape[0]
  d_model = xsrc_hbm.shape[1]
  nw, nchunk, ch = didx_hbm.shape
  epw = nchunk * ch
  rows_pt = n_pad // _NS
  ncols = d_model // _L

  c = lax.axis_index("c")
  t = lax.axis_index("s")
  wid = c * _NS + t
  base_e = wid * epw

  def load_idx(i, p):
    off = base_e + i * ch
    pltpu.async_copy(sidx_hbm.at[pl.ds(off, ch)], sidx_c[p], sema[p])
    pltpu.async_copy(didx_hbm.at[wid, i], didx_c[p], sema[p])
    pltpu.async_copy(gate_hbm.at[pl.ds(off, ch)], gate_c[p], sema[p])

  def wait_idx(i, p):
    off = base_e + i * ch
    pltpu.make_async_copy(sidx_hbm.at[pl.ds(off, ch)], sidx_c[p],
                          sema[p]).wait()
    pltpu.make_async_copy(didx_hbm.at[wid, i], didx_c[p], sema[p]).wait()
    pltpu.make_async_copy(gate_hbm.at[pl.ds(off, ch)], gate_c[p],
                          sema[p]).wait()

  def issue_gather(p):
    pltpu.async_copy(xsrc_hbm.at[sidx_c[p]], rows[p], semg[p])

  def wait_gather(p):
    pltpu.make_async_copy(xsrc_hbm.at[sidx_c[p]], rows[p], semg[p]).wait()

  def issue_scatter(p):
    pltpu.async_copy(rows[p], acc_sh.at[didx_c[p]], sems[p], add=True)
    pltpu.async_copy(ones_v.at[pl.ds(0, ch)], deg_sh.at[didx_c[p]], sems[p],
                     add=True)

  def wait_scatter(p):
    pltpu.make_async_copy(rows[p], acc_sh.at[didx_c[p]], sems[p]).wait()
    pltpu.make_async_copy(ones_v.at[pl.ds(0, ch)], deg_sh.at[didx_c[p]],
                          sems[p]).wait()

  zeros = jnp.zeros((_L,), jnp.float32)
  ones = jnp.ones((_L,), jnp.float32)

  def zfill(i, _):
    r = i // ncols
    k = i % ncols
    rows[0][r, pl.ds(k * _L, _L)] = zeros
    return 0
  lax.fori_loop(0, ch * ncols, zfill, 0)

  def zcopy(i, _):
    pltpu.sync_copy(rows[0], acc_sh.at[pl.ds(t * rows_pt + i * ch, ch)])
    return 0
  lax.fori_loop(0, rows_pt // ch, zcopy, 0)

  def zdcopy(i, _):
    pltpu.sync_copy(rows[0].at[0],
                    deg_sh.at[pl.ds(t * rows_pt + i * d_model, d_model)])
    return 0
  lax.fori_loop(0, rows_pt // d_model, zdcopy, 0)

  def onesfill(i, _):
    ones_v[pl.ds(i * _L, _L)] = ones
    return 0
  lax.fori_loop(0, ones_v.shape[0] // _L, onesfill, 0)

  load_idx(0, 0)
  load_idx(1, 1)
  wait_idx(0, 0)
  issue_gather(0)

  plsc.subcore_barrier()

  def process(i, s):
    s1 = (s + 1) % _NB
    s2 = (s + 2) % _NB

    @pl.when(i + 1 < nchunk)
    def _():
      wait_idx(i + 1, s1)

    @pl.when(i >= 2)
    def _():
      wait_scatter(s2)

    @pl.when(i + 2 < nchunk)
    def _():
      load_idx(i + 2, s2)

    @pl.when(i + 1 < nchunk)
    def _():
      issue_gather(s1)

    wait_gather(s)

    def scale_edge(e, _):
      g = plsc.load_gather(gate_c[s], [jnp.full((_L,), e, jnp.int32)])
      for k in range(ncols):
        rows[s][e, pl.ds(k * _L, _L)] = rows[s][e, pl.ds(k * _L, _L)] * g
      return 0
    lax.fori_loop(0, ch, scale_edge, 0)

    issue_scatter(s)

  def quad_body(q, _):
    for k in range(_NB):
      process(_NB * q + k, k)
    return 0
  lax.fori_loop(0, nchunk // _NB, quad_body, 0)
  for k in range(nchunk % _NB):
    process((nchunk // _NB) * _NB + k, k)
  wait_scatter((nchunk - 2) % _NB)
  wait_scatter((nchunk - 1) % _NB)

  plsc.subcore_barrier()

  r0 = t * rows_pt
  pltpu.sync_copy(acc_sh.at[pl.ds(r0, rows_pt)],
                  acc_hbm.at[c, pl.ds(r0, rows_pt)])
  pltpu.sync_copy(deg_sh.at[pl.ds(t * rows_pt, rows_pt)],
                  deg_hbm.at[c, pl.ds(t * rows_pt, rows_pt)])


def kernel(x_src, x_dst, edge_index, edge_attr, W_src, W_dst, b_dst,
           G1_w, G1_b, G2_w, G2_b, ln_g, ln_b):
  n, d_model = x_src.shape
  e_total, de = edge_attr.shape

  be = 2560
  nblk = e_total // be
  gates2d = pl.pallas_call(
      _gate_body,
      grid=(nblk,),
      in_specs=[
          pl.BlockSpec((de, be), lambda i: (0, i)),
          pl.BlockSpec((d_model, de), lambda i: (0, 0)),
          pl.BlockSpec((d_model, 1), lambda i: (0, 0)),
          pl.BlockSpec((d_model, 1), lambda i: (0, 0)),
          pl.BlockSpec(memory_space=pltpu.SMEM),
      ],
      out_specs=pl.BlockSpec((1, 1, be), lambda i: (i, 0, 0)),
      out_shape=jax.ShapeDtypeStruct((nblk, 1, be), jnp.float32),
  )(edge_attr.T, G1_w, G1_b.reshape(d_model, 1), G2_w.reshape(d_model, 1),
    G2_b)
  gates = gates2d.reshape(e_total)

  s_idx = edge_index[0]
  d_idx = edge_index[1]
  ch = 80
  epw = e_total // (_NC * _NS)
  nchunk = epw // ch
  n_pad = 10240

  mesh = plsc.VectorSubcoreMesh(core_axis_name="c", subcore_axis_name="s",
                                num_cores=_NC, num_subcores=_NS)
  sc_fn = pl.kernel(
      _sc_scatter_body,
      out_type=(
          jax.ShapeDtypeStruct((_NC, n_pad, d_model), jnp.float32),
          jax.ShapeDtypeStruct((_NC, n_pad), jnp.float32),
      ),
      mesh=mesh,
      compiler_params=pltpu.CompilerParams(needs_layout_passes=False),
      scratch_types=(
          [pltpu.VMEM((ch,), jnp.int32) for _ in range(_NB)]
          + [pltpu.VMEM((ch,), jnp.int32) for _ in range(_NB)]
          + [pltpu.VMEM((ch,), jnp.float32) for _ in range(_NB)]
          + [pltpu.VMEM((ch, d_model), jnp.float32)
             for _ in range(_NB)]
          + [pltpu.VMEM((-(-ch // 16) * 16,), jnp.float32)]
          + [pltpu.VMEM_SHARED((n_pad, d_model), jnp.float32),
             pltpu.VMEM_SHARED((n_pad,), jnp.float32)]
          + [pltpu.SemaphoreType.DMA] * (3 * _NB)
      ),
  )
  acc2, deg2 = sc_fn(x_src, s_idx,
                     d_idx.reshape(_NC * _NS, nchunk, ch), gates)

  bn = 1000
  out = pl.pallas_call(
      _final_body,
      grid=(n // bn,),
      in_specs=[
          pl.BlockSpec((_NC, bn, d_model), lambda i: (0, i, 0)),
          pl.BlockSpec((_NC, bn, 1), lambda i: (0, i, 0)),
          pl.BlockSpec((bn, d_model), lambda i: (i, 0)),
          pl.BlockSpec((d_model, d_model), lambda i: (0, 0)),
          pl.BlockSpec((d_model, d_model), lambda i: (0, 0)),
          pl.BlockSpec((1, d_model), lambda i: (0, 0)),
          pl.BlockSpec((1, d_model), lambda i: (0, 0)),
          pl.BlockSpec((1, d_model), lambda i: (0, 0)),
      ],
      out_specs=pl.BlockSpec((bn, d_model), lambda i: (i, 0)),
      out_shape=jax.ShapeDtypeStruct((n, d_model), jnp.float32),
  )(acc2, deg2.reshape(_NC, n_pad, 1), x_dst, W_src, W_dst,
    b_dst.reshape(1, d_model), ln_g.reshape(1, d_model),
    ln_b.reshape(1, d_model))
  return out

# --- scband reference (transcript-rebuilt; emitter-appended) ---
"""Pipeline reference for scband-legislative-stance-model-15006615732402 (READ-ONLY COPY).

The authoritative reference and input builder live on the scoring server;
editing this copy changes nothing except your own understanding.
"""

import jax, jax.numpy as jnp
import numpy as np

N = 10000
E = 320000
D = 128
DE = 16


def setup_inputs(seed: int = 0) -> dict:
    key = jax.random.key(seed)
    ks = jax.random.split(key, 12)
    x_src = jax.random.normal(ks[0], (N, D), dtype=jnp.float32)
    x_dst = jax.random.normal(ks[1], (N, D), dtype=jnp.float32)
    edge_index = jax.random.randint(ks[2], (2, E), 0, N, dtype=jnp.int32)
    edge_attr = jax.random.normal(ks[3], (E, DE), dtype=jnp.float32)
    # learned parameters (EdgeGatedSAGELayer with d_model=128, edge_dim=16)
    W_src = jax.random.normal(ks[4], (D, D), dtype=jnp.float32) * 0.05   # src: Linear(D,D,bias=False)
    W_dst = jax.random.normal(ks[5], (D, D), dtype=jnp.float32) * 0.05   # dst: Linear(D,D)
    b_dst = jnp.zeros((D,), dtype=jnp.float32)
    G1_w = jax.random.normal(ks[6], (D, DE), dtype=jnp.float32) * 0.1    # gate MLP l1: Linear(DE,D)
    G1_b = jnp.zeros((D,), dtype=jnp.float32)
    G2_w = jax.random.normal(ks[7], (1, D), dtype=jnp.float32) * 0.05    # gate MLP l2: Linear(D,1)
    G2_b = jnp.zeros((1,), dtype=jnp.float32)
    ln_g = jnp.ones((D,), dtype=jnp.float32)
    ln_b = jnp.zeros((D,), dtype=jnp.float32)
    return {
        "x_src": x_src, "x_dst": x_dst, "edge_index": edge_index, "edge_attr": edge_attr,
        "W_src": W_src, "W_dst": W_dst, "b_dst": b_dst,
        "G1_w": G1_w, "G1_b": G1_b, "G2_w": G2_w, "G2_b": G2_b,
        "ln_g": ln_g, "ln_b": ln_b,
    }


def _layernorm(z, g, b, eps=1e-5):
    mean = jnp.mean(z, axis=-1, keepdims=True)
    var = jnp.var(z, axis=-1, keepdims=True)
    return (z - mean) / jnp.sqrt(var + eps) * g + b


def reference(x_src, x_dst, edge_index, edge_attr, W_src, W_dst, b_dst, G1_w, G1_b, G2_w, G2_b, ln_g, ln_b):
    s = edge_index[0]
    d = edge_index[1]
    # message: gather src features (SparseCore gather) then project
    msg = jnp.take(x_src, s, axis=0) @ W_src.T
    # edge gate MLP (norm=False, dropout off in eval): l1 -> gelu -> l2
    h = jax.nn.gelu(edge_attr @ G1_w.T + G1_b, approximate=False)
    gate = h @ G2_w.T + G2_b
    msg = msg * jax.nn.sigmoid(gate)
    # scatter-add aggregation to dst nodes (SparseCore scatter-add)
    out = jax.ops.segment_sum(msg, d, num_segments=N)
    # degree normalization
    deg = jnp.clip(jnp.bincount(d, length=N), 1).astype(msg.dtype)[:, None]
    out = out / deg
    z = out + x_dst @ W_dst.T + b_dst
    z = _layernorm(z, ln_g, ln_b)
    return jax.nn.gelu(z, approximate=False)

if __name__ == "__main__":
    import jax
    _d = setup_inputs()
    print(jax.jit(kernel)(*tuple(_d.values())))

</pallas_src>

<mosaic_0001>
#map = affine_map<(d0, d1) -> (0, 0)>
#map1 = affine_map<(d0, d1) -> (0)>
#map2 = affine_map<(d0, d1) -> (0, 0, 0)>
module attributes {stable_mosaic.version = 14 : i64} {
  func.func @_sc_scatter_body(%arg0: i32, %arg1: i32, %arg2: memref<10000x128xf32, #tpu.memory_space<hbm>>, %arg3: memref<320000xi32, #tpu.memory_space<hbm>>, %arg4: memref<32x125x80xi32, #tpu.memory_space<hbm>>, %arg5: memref<320000xf32, #tpu.memory_space<hbm>>, %arg6: memref<2x10240x128xf32, #tpu.memory_space<hbm>>, %arg7: memref<2x10240xf32, #tpu.memory_space<hbm>>, %arg8: memref<80xi32, #tpu.memory_space<vmem>>, %arg9: memref<80xi32, #tpu.memory_space<vmem>>, %arg10: memref<80xi32, #tpu.memory_space<vmem>>, %arg11: memref<80xi32, #tpu.memory_space<vmem>>, %arg12: memref<80xi32, #tpu.memory_space<vmem>>, %arg13: memref<80xi32, #tpu.memory_space<vmem>>, %arg14: memref<80xi32, #tpu.memory_space<vmem>>, %arg15: memref<80xi32, #tpu.memory_space<vmem>>, %arg16: memref<80xf32, #tpu.memory_space<vmem>>, %arg17: memref<80xf32, #tpu.memory_space<vmem>>, %arg18: memref<80xf32, #tpu.memory_space<vmem>>, %arg19: memref<80xf32, #tpu.memory_space<vmem>>, %arg20: memref<80x128xf32, #tpu.memory_space<vmem>>, %arg21: memref<80x128xf32, #tpu.memory_space<vmem>>, %arg22: memref<80x128xf32, #tpu.memory_space<vmem>>, %arg23: memref<80x128xf32, #tpu.memory_space<vmem>>, %arg24: memref<80xf32, #tpu.memory_space<vmem>>, %arg25: memref<10240x128xf32, #tpu.memory_space<vmem_shared>>, %arg26: memref<10240xf32, #tpu.memory_space<vmem_shared>>, %arg27: memref<!tpu.dma_semaphore, #tpu.memory_space<semaphore_mem>>, %arg28: memref<!tpu.dma_semaphore, #tpu.memory_space<semaphore_mem>>, %arg29: memref<!tpu.dma_semaphore, #tpu.memory_space<semaphore_mem>>, %arg30: memref<!tpu.dma_semaphore, #tpu.memory_space<semaphore_mem>>, %arg31: memref<!tpu.dma_semaphore, #tpu.memory_space<semaphore_mem>>, %arg32: memref<!tpu.dma_semaphore, #tpu.memory_space<semaphore_mem>>, %arg33: memref<!tpu.dma_semaphore, #tpu.memory_space<semaphore_mem>>, %arg34: memref<!tpu.dma_semaphore, #tpu.memory_space<semaphore_mem>>, %arg35: memref<!tpu.dma_semaphore, #tpu.memory_space<semaphore_mem>>, %arg36: memref<!tpu.dma_semaphore, #tpu.memory_space<semaphore_mem>>, %arg37: memref<!tpu.dma_semaphore, #tpu.memory_space<semaphore_mem>>, %arg38: memref<!tpu.dma_semaphore, #tpu.memory_space<semaphore_mem>>) attributes {dimension_semantics = [#tpu.dimension_semantics<core_parallel>, #tpu.dimension_semantics<subcore_parallel>], iteration_bounds = array<i64: 2, 16>, scalar_prefetch = 0 : i64, scratch_operands = 31 : i64, tpu.core_type = #tpu.core_type<sc_vector_subcore>, window_params = [{transform_indices = #map}, {transform_indices = #map1}, {transform_indices = #map2}, {transform_indices = #map1}, {transform_indices = #map2}, {transform_indices = #map}]} {
    %mul3A = arith.constant 16 : i32
    %mul3A_0 = arith.muli %arg0, %mul3A : i32
    %add3A = arith.addi %mul3A_0, %arg1 : i32
    %mul3A_1 = arith.constant 10000 : i32
    %mul3A_2 = arith.muli %add3A, %mul3A_1 : i32
    %broadcast_in_dim3A = arith.constant 0.000000e+00 : f32
    %broadcast_in_dim3A_3 = vector.broadcast %broadcast_in_dim3A : f32 to vector<16xf32>
    %broadcast_in_dim3A_4 = arith.constant 1.000000e+00 : f32
    %broadcast_in_dim3A_5 = vector.broadcast %broadcast_in_dim3A_4 : f32 to vector<16xf32>
    %scan3A = arith.constant 0 : i32
    %scan3A_6 = arith.constant 0 : i32
    %scan3A_7 = arith.constant 640 : i32
    %scan3A_8 = arith.addi %scan3A_6, %scan3A_7 : i32
    %scan3A_9 = arith.constant 1 : i32
    %scan3A_10 = scf.for %scan3A_125 = %scan3A_6 to %scan3A_8 step %scan3A_9 iter_args(%scan3A_126 = %scan3A) -> (i32)  : i32 {
      %jit3A = arith.constant 8 : i32
      %div3A = arith.divsi %scan3A_125, %jit3A : i32
      %sign3A = arith.constant 0 : i32
      %sign3A_127 = arith.cmpi sgt, %scan3A_125, %sign3A : i32
      %sign3A_128 = arith.extui %sign3A_127 : i1 to i32
      %sign3A_129 = arith.constant 0 : i32
      %sign3A_130 = arith.cmpi slt, %scan3A_125, %sign3A_129 : i32
      %sign3A_131 = arith.extui %sign3A_130 : i1 to i32
      %sign3A_132 = arith.subi %sign3A_128, %sign3A_131 : i32
      %sign3A_133 = arith.constant 0 : i32
      %sign3A_134 = arith.cmpi sgt, %jit3A, %sign3A_133 : i32
      %sign3A_135 = arith.extui %sign3A_134 : i1 to i32
      %sign3A_136 = arith.constant 0 : i32
      %sign3A_137 = arith.cmpi slt, %jit3A, %sign3A_136 : i32
      %sign3A_138 = arith.extui %sign3A_137 : i1 to i32
      %sign3A_139 = arith.subi %sign3A_135, %sign3A_138 : i32
      %ne3A = arith.cmpi ne, %sign3A_132, %sign3A_139 : i32
      %rem3A = arith.remsi %scan3A_125, %jit3A : i32
      %ne3A_140 = arith.constant 0 : i32
      %ne3A_141 = arith.cmpi ne, %rem3A, %ne3A_140 : i32
      %and3A = arith.andi %ne3A, %ne3A_141 : i1
      %sub3A = arith.constant 1 : i32
      %sub3A_142 = arith.subi %div3A, %sub3A : i32
      %select_n3A = arith.select %and3A, %sub3A_142, %div3A : i32
      %jit3A_143 = arith.constant 8 : i32
      %eq3A = arith.constant 0 : i32
      %eq3A_144 = arith.cmpi eq, %jit3A_143, %eq3A : i32
      %jit3A_145 = arith.constant 1 : i32
      %select_n3A_146 = arith.select %eq3A_144, %jit3A_145, %jit3A_143 : i32
      %rem3A_147 = arith.remsi %scan3A_125, %select_n3A_146 : i32
      %ne3A_148 = arith.constant 0 : i32
      %ne3A_149 = arith.cmpi ne, %rem3A_147, %ne3A_148 : i32
      %lt3A = arith.constant 0 : i32
      %lt3A_150 = arith.cmpi slt, %rem3A_147, %lt3A : i32
      %lt3A_151 = arith.constant 0 : i32
      %lt3A_152 = arith.cmpi slt, %select_n3A_146, %lt3A_151 : i32
      %ne3A_153 = arith.xori %lt3A_150, %lt3A_152 : i1
      %and3A_154 = arith.andi %ne3A_153, %ne3A_149 : i1
      %add3A_155 = arith.addi %rem3A_147, %select_n3A_146 : i32
      %select_n3A_156 = arith.select %and3A_154, %add3A_155, %rem3A_147 : i32
      %mul3A_157 = arith.constant 16 : i32
      %mul3A_158 = arith.muli %select_n3A_156, %mul3A_157 : i32
      %swap3A = arith.index_cast %select_n3A : i32 to index
      %swap3A_159 = arith.index_cast %mul3A_158 : i32 to index
      %swap3A_160 = tpu.vector_load %arg20[%swap3A, %swap3A_159] {strides = array<i32>} : memref<80x128xf32, #tpu.memory_space<vmem>>, vector<16xf32>,
      tpu.vector_store %arg20[%swap3A, %swap3A_159], %broadcast_in_dim3A_3 {strides = array<i32>} : memref<80x128xf32, #tpu.memory_space<vmem>>, vector<16xf32>,
      %scan3A_161 = arith.constant 0 : i32
      scf.yield %scan3A_161 : i32
    }
    %scan3A_11 = arith.constant 640 : i32
    %scan3A_12 = arith.constant 0 : i32
    %scan3A_13 = arith.constant 0 : i32
    %scan3A_14 = arith.constant 8 : i32
    %scan3A_15 = arith.addi %scan3A_13, %scan3A_14 : i32
    %scan3A_16 = arith.constant 1 : i32
    %scan3A_17 = scf.for %scan3A_125 = %scan3A_13 to %scan3A_15 step %scan3A_16 iter_args(%scan3A_126 = %scan3A_12) -> (i32)  : i32 {
      %mul3A_127 = arith.constant 640 : i32
      %mul3A_128 = arith.muli %arg1, %mul3A_127 : i32
      %mul3A_129 = arith.constant 80 : i32
      %mul3A_130 = arith.muli %scan3A_125, %mul3A_129 : i32
      %add3A_131 = arith.addi %mul3A_128, %mul3A_130 : i32
      "tpu.region"() ({
        %run_scoped3A = tpu.sem_alloc : memref<!tpu.dma_semaphore, #tpu.memory_space<semaphore_mem>>
        %dma_start3A_133 = arith.constant 0 : i32
        %dma_start3A_134 = tpu.memref_slice %arg25[%add3A_131, %dma_start3A_133] : memref<10240x128xf32, #tpu.memory_space<vmem_shared>> -> memref<80x128xf32, #tpu.memory_space<vmem_shared>>
        %dma_start3A_135 = arith.constant 0 : i32
        %dma_start3A_136 = tpu.memref_slice %arg25[%add3A_131, %dma_start3A_135] : memref<10240x128xf32, #tpu.memory_space<vmem_shared>> -> memref<80x128xf32, #tpu.memory_space<vmem_shared>>
        tpu.enqueue_dma source(%arg20 : memref<80x128xf32, #tpu.memory_space<vmem>>) target(%dma_start3A_136 : memref<80x128xf32, #tpu.memory_space<vmem_shared>>) target_semaphore(%run_scoped3A : memref<!tpu.dma_semaphore, #tpu.memory_space<semaphore_mem>>)
        %dma_wait3A_137 = arith.constant 0 : i32
        %dma_wait3A_138 = tpu.memref_slice %arg25[%add3A_131, %dma_wait3A_137] : memref<10240x128xf32, #tpu.memory_space<vmem_shared>> -> memref<80x128xf32, #tpu.memory_space<vmem_shared>>
        %dma_wait3A_139 = arith.constant 0 : i32
        %dma_wait3A_140 = tpu.memref_slice %arg25[%add3A_131, %dma_wait3A_139] : memref<10240x128xf32, #tpu.memory_space<vmem_shared>> -> memref<80x128xf32, #tpu.memory_space<vmem_shared>>
        tpu.wait_dma2 semaphore(%run_scoped3A : memref<!tpu.dma_semaphore, #tpu.memory_space<semaphore_mem>>) src(%arg20 : memref<80x128xf32, #tpu.memory_space<vmem>>) dst(%dma_wait3A_140 : memref<80x128xf32, #tpu.memory_space<vmem_shared>>)
        tpu.yield
      }) : () -> ()
      %scan3A_132 = arith.constant 0 : i32
      scf.yield %scan3A_132 : i32
    }
    %scan3A_18 = arith.constant 8 : i32
    %scan3A_19 = arith.constant 0 : i32
    %scan3A_20 = arith.constant 0 : i32
    %scan3A_21 = arith.constant 5 : i32
    %scan3A_22 = arith.addi %scan3A_20, %scan3A_21 : i32
    %scan3A_23 = arith.constant 1 : i32
    %scan3A_24 = scf.for %scan3A_125 = %scan3A_20 to %scan3A_22 step %scan3A_23 iter_args(%scan3A_126 = %scan3A_19) -> (i32)  : i32 {
      %mul3A_127 = arith.constant 640 : i32
      %mul3A_128 = arith.muli %arg1, %mul3A_127 : i32
      %mul3A_129 = arith.constant 128 : i32
      %mul3A_130 = arith.muli %scan3A_125, %mul3A_129 : i32
      %add3A_131 = arith.addi %mul3A_128, %mul3A_130 : i32
      %run_scoped3A = arith.constant 0 : i32
      "tpu.region"() ({
        %run_scoped3A_133 = tpu.sem_alloc : memref<!tpu.dma_semaphore, #tpu.memory_space<semaphore_mem>>
        %dma_start3A_134 = arith.constant 0 : i32
        %dma_start3A_135 = tpu.memref_slice %arg20[%run_scoped3A, %dma_start3A_134] : memref<80x128xf32, #tpu.memory_space<vmem>> -> memref<1x128xf32, #tpu.memory_space<vmem>>
        %dma_start3A_136 = tpu.memref_squeeze %dma_start3A_135 : memref<1x128xf32, #tpu.memory_space<vmem>> -> memref<128xf32, #tpu.memory_space<vmem>>
        %dma_start3A_137 = tpu.memref_slice %arg26[%add3A_131] : memref<10240xf32, #tpu.memory_space<vmem_shared>> -> memref<128xf32, #tpu.memory_space<vmem_shared>>
        %dma_start3A_138 = tpu.memref_slice %arg26[%add3A_131] : memref<10240xf32, #tpu.memory_space<vmem_shared>> -> memref<128xf32, #tpu.memory_space<vmem_shared>>
        %dma_start3A_139 = arith.constant 0 : i32
        %dma_start3A_140 = tpu.memref_slice %arg20[%run_scoped3A, %dma_start3A_139] : memref<80x128xf32, #tpu.memory_space<vmem>> -> memref<1x128xf32, #tpu.memory_space<vmem>>
        %dma_start3A_141 = tpu.memref_squeeze %dma_start3A_140 : memref<1x128xf32, #tpu.memory_space<vmem>> -> memref<128xf32, #tpu.memory_space<vmem>>
        tpu.enqueue_dma source(%dma_start3A_141 : memref<128xf32, #tpu.memory_space<vmem>>) target(%dma_start3A_138 : memref<128xf32, #tpu.memory_space<vmem_shared>>) target_semaphore(%run_scoped3A_133 : memref<!tpu.dma_semaphore, #tpu.memory_space<semaphore_mem>>)
        %dma_wait3A_142 = arith.constant 0 : i32
        %dma_wait3A_143 = tpu.memref_slice %arg20[%run_scoped3A, %dma_wait3A_142] : memref<80x128xf32, #tpu.memory_space<vmem>> -> memref<1x128xf32, #tpu.memory_space<vmem>>
        %dma_wait3A_144 = tpu.memref_squeeze %dma_wait3A_143 : memref<1x128xf32, #tpu.memory_space<vmem>> -> memref<128xf32, #tpu.memory_space<vmem>>
        %dma_wait3A_145 = tpu.memref_slice %arg26[%add3A_131] : memref<10240xf32, #tpu.memory_space<vmem_shared>> -> memref<128xf32, #tpu.memory_space<vmem_shared>>
        %dma_wait3A_146 = tpu.memref_slice %arg26[%add3A_131] : memref<10240xf32, #tpu.memory_space<vmem_shared>> -> memref<128xf32, #tpu.memory_space<vmem_shared>>
        %dma_wait3A_147 = arith.constant 0 : i32
        %dma_wait3A_148 = tpu.memref_slice %arg20[%run_scoped3A, %dma_wait3A_147] : memref<80x128xf32, #tpu.memory_space<vmem>> -> memref<1x128xf32, #tpu.memory_space<vmem>>
        %dma_wait3A_149 = tpu.memref_squeeze %dma_wait3A_148 : memref<1x128xf32, #tpu.memory_space<vmem>> -> memref<128xf32, #tpu.memory_space<vmem>>
        tpu.wait_dma2 semaphore(%run_scoped3A_133 : memref<!tpu.dma_semaphore, #tpu.memory_space<semaphore_mem>>) src(%dma_wait3A_149 : memref<128xf32, #tpu.memory_space<vmem>>) dst(%dma_wait3A_146 : memref<128xf32, #tpu.memory_space<vmem_shared>>)
        tpu.yield
      }) : () -> ()
      %scan3A_132 = arith.constant 0 : i32
      scf.yield %scan3A_132 : i32
    }
    %scan3A_25 = arith.constant 5 : i32
    %scan3A_26 = arith.constant 0 : i32
    %scan3A_27 = arith.constant 0 : i32
    %scan3A_28 = arith.constant 5 : i32
    %scan3A_29 = arith.addi %scan3A_27, %scan3A_28 : i32
    %scan3A_30 = arith.constant 1 : i32
    %scan3A_31 = scf.for %scan3A_125 = %scan3A_27 to %scan3A_29 step %scan3A_30 iter_args(%scan3A_126 = %scan3A_26) -> (i32)  : i32 {
      %mul3A_127 = arith.constant 16 : i32
      %mul3A_128 = arith.muli %scan3A_125, %mul3A_127 : i32
      %swap3A = arith.index_cast %mul3A_128 : i32 to index
      %swap3A_129 = tpu.vector_load %arg24[%swap3A] {strides = array<i32>} : memref<80xf32, #tpu.memory_space<vmem>>, vector<16xf32>,
      tpu.vector_store %arg24[%swap3A], %broadcast_in_dim3A_5 {strides = array<i32>} : memref<80xf32, #tpu.memory_space<vmem>>, vector<16xf32>,
      %scan3A_130 = arith.constant 0 : i32
      scf.yield %scan3A_130 : i32
    }
    %scan3A_32 = arith.constant 5 : i32
    %add3A_33 = arith.constant 0 : i32
    %add3A_34 = arith.addi %mul3A_2, %add3A_33 : i32
    %dma_start3A = tpu.memref_slice %arg3[%add3A_34] : memref<320000xi32, #tpu.memory_space<hbm>> -> memref<80xi32, #tpu.memory_space<hbm>>
    %dma_start3A_35 = tpu.memref_slice %arg3[%add3A_34] : memref<320000xi32, #tpu.memory_space<hbm>> -> memref<80xi32, #tpu.memory_space<hbm>>
    tpu.enqueue_dma source(%dma_start3A_35 : memref<80xi32, #tpu.memory_space<hbm>>) target(%arg8 : memref<80xi32, #tpu.memory_space<vmem>>) target_semaphore(%arg27 : memref<!tpu.dma_semaphore, #tpu.memory_space<semaphore_mem>>)
    %dma_start3A_36 = arith.constant 0 : i32
    %dma_start3A_37 = arith.constant 0 : i32
    %dma_start3A_38 = tpu.memref_slice %arg4[%add3A, %dma_start3A_36, %dma_start3A_37] : memref<32x125x80xi32, #tpu.memory_space<hbm>> -> memref<1x1x80xi32, #tpu.memory_space<hbm>>
    %dma_start3A_39 = tpu.memref_squeeze %dma_start3A_38 : memref<1x1x80xi32, #tpu.memory_space<hbm>> -> memref<80xi32, #tpu.memory_space<hbm>>
    %dma_start3A_40 = arith.constant 0 : i32
    %dma_start3A_41 = tpu.memref_slice %arg4[%add3A, %dma_start3A_36, %dma_start3A_40] : memref<32x125x80xi32, #tpu.memory_space<hbm>> -> memref<1x1x80xi32, #tpu.memory_space<hbm>>
    %dma_start3A_42 = tpu.memref_squeeze %dma_start3A_41 : memref<1x1x80xi32, #tpu.memory_space<hbm>> -> memref<80xi32, #tpu.memory_space<hbm>>
    tpu.enqueue_dma source(%dma_start3A_42 : memref<80xi32, #tpu.memory_space<hbm>>) target(%arg12 : memref<80xi32, #tpu.memory_space<vmem>>) target_semaphore(%arg27 : memref<!tpu.dma_semaphore, #tpu.memory_space<semaphore_mem>>)
    %dma_start3A_43 = tpu.memref_slice %arg5[%add3A_34] : memref<320000xf32, #tpu.memory_space<hbm>> -> memref<80xf32, #tpu.memory_space<hbm>>
    %dma_start3A_44 = tpu.memref_slice %arg5[%add3A_34] : memref<320000xf32, #tpu.memory_space<hbm>> -> memref<80xf32, #tpu.memory_space<hbm>>
    tpu.enqueue_dma source(%dma_start3A_44 : memref<80xf32, #tpu.memory_space<hbm>>) target(%arg16 : memref<80xf32, #tpu.memory_space<vmem>>) target_semaphore(%arg27 : memref<!tpu.dma_semaphore, #tpu.memory_space<semaphore_mem>>)
    %add3A_45 = arith.constant 80 : i32
    %add3A_46 = arith.addi %mul3A_2, %add3A_45 : i32
    %dma_start3A_47 = tpu.memref_slice %arg3[%add3A_46] : memref<320000xi32, #tpu.memory_space<hbm>> -> memref<80xi32, #tpu.memory_space<hbm>>
    %dma_start3A_48 = tpu.memref_slice %arg3[%add3A_46] : memref<320000xi32, #tpu.memory_space<hbm>> -> memref<80xi32, #tpu.memory_space<hbm>>
    tpu.enqueue_dma source(%dma_start3A_48 : memref<80xi32, #tpu.memory_space<hbm>>) target(%arg9 : memref<80xi32, #tpu.memory_space<vmem>>) target_semaphore(%arg28 : memref<!tpu.dma_semaphore, #tpu.memory_space<semaphore_mem>>)
    %dma_start3A_49 = arith.constant 1 : i32
    %dma_start3A_50 = arith.constant 0 : i32
    %dma_start3A_51 = tpu.memref_slice %arg4[%add3A, %dma_start3A_49, %dma_start3A_50] : memref<32x125x80xi32, #tpu.memory_space<hbm>> -> memref<1x1x80xi32, #tpu.memory_space<hbm>>
    %dma_start3A_52 = tpu.memref_squeeze %dma_start3A_51 : memref<1x1x80xi32, #tpu.memory_space<hbm>> -> memref<80xi32, #tpu.memory_space<hbm>>
    %dma_start3A_53 = arith.constant 0 : i32
    %dma_start3A_54 = tpu.memref_slice %arg4[%add3A, %dma_start3A_49, %dma_start3A_53] : memref<32x125x80xi32, #tpu.memory_space<hbm>> -> memref<1x1x80xi32, #tpu.memory_space<hbm>>
    %dma_start3A_55 = tpu.memref_squeeze %dma_start3A_54 : memref<1x1x80xi32, #tpu.memory_space<hbm>> -> memref<80xi32, #tpu.memory_space<hbm>>
    tpu.enqueue_dma source(%dma_start3A_55 : memref<80xi32, #tpu.memory_space<hbm>>) target(%arg13 : memref<80xi32, #tpu.memory_space<vmem>>) target_semaphore(%arg28 : memref<!tpu.dma_semaphore, #tpu.memory_space<semaphore_mem>>)
    %dma_start3A_56 = tpu.memref_slice %arg5[%add3A_46] : memref<320000xf32, #tpu.memory_space<hbm>> -> memref<80xf32, #tpu.memory_space<hbm>>
    %dma_start3A_57 = tpu.memref_slice %arg5[%add3A_46] : memref<320000xf32, #tpu.memory_space<hbm>> -> memref<80xf32, #tpu.memory_space<hbm>>
    tpu.enqueue_dma source(%dma_start3A_57 : memref<80xf32, #tpu.memory_space<hbm>>) target(%arg17 : memref<80xf32, #tpu.memory_space<vmem>>) target_semaphore(%arg28 : memref<!tpu.dma_semaphore, #tpu.memory_space<semaphore_mem>>)
    %add3A_58 = arith.constant 0 : i32
    %add3A_59 = arith.addi %mul3A_2, %add3A_58 : i32
    %dma_wait3A = tpu.memref_slice %arg3[%add3A_59] : memref<320000xi32, #tpu.memory_space<hbm>> -> memref<80xi32, #tpu.memory_space<hbm>>
    %dma_wait3A_60 = tpu.memref_slice %arg3[%add3A_59] : memref<320000xi32, #tpu.memory_space<hbm>> -> memref<80xi32, #tpu.memory_space<hbm>>
    tpu.wait_dma2 semaphore(%arg27 : memref<!tpu.dma_semaphore, #tpu.memory_space<semaphore_mem>>) src(%dma_wait3A_60 : memref<80xi32, #tpu.memory_space<hbm>>) dst(%arg8 : memref<80xi32, #tpu.memory_space<vmem>>)
    %dma_wait3A_61 = arith.constant 0 : i32
    %dma_wait3A_62 = arith.constant 0 : i32
    %dma_wait3A_63 = tpu.memref_slice %arg4[%add3A, %dma_wait3A_61, %dma_wait3A_62] : memref<32x125x80xi32, #tpu.memory_space<hbm>> -> memref<1x1x80xi32, #tpu.memory_space<hbm>>
    %dma_wait3A_64 = tpu.memref_squeeze %dma_wait3A_63 : memref<1x1x80xi32, #tpu.memory_space<hbm>> -> memref<80xi32, #tpu.memory_space<hbm>>
    %dma_wait3A_65 = arith.constant 0 : i32
    %dma_wait3A_66 = tpu.memref_slice %arg4[%add3A, %dma_wait3A_61, %dma_wait3A_65] : memref<32x125x80xi32, #tpu.memory_space<hbm>> -> memref<1x1x80xi32, #tpu.memory_space<hbm>>
    %dma_wait3A_67 = tpu.memref_squeeze %dma_wait3A_66 : memref<1x1x80xi32, #tpu.memory_space<hbm>> -> memref<80xi32, #tpu.memory_space<hbm>>
    tpu.wait_dma2 semaphore(%arg27 : memref<!tpu.dma_semaphore, #tpu.memory_space<semaphore_mem>>) src(%dma_wait3A_67 : memref<80xi32, #tpu.memory_space<hbm>>) dst(%arg12 : memref<80xi32, #tpu.memory_space<vmem>>)
    %dma_wait3A_68 = tpu.memref_slice %arg5[%add3A_59] : memref<320000xf32, #tpu.memory_space<hbm>> -> memref<80xf32, #tpu.memory_space<hbm>>
    %dma_wait3A_69 = tpu.memref_slice %arg5[%add3A_59] : memref<320000xf32, #tpu.memory_space<hbm>> -> memref<80xf32, #tpu.memory_space<hbm>>
    tpu.wait_dma2 semaphore(%arg27 : memref<!tpu.dma_semaphore, #tpu.memory_space<semaphore_mem>>) src(%dma_wait3A_69 : memref<80xf32, #tpu.memory_space<hbm>>) dst(%arg16 : memref<80xf32, #tpu.memory_space<vmem>>)
    %dma_start3A_70 = arith.constant 0 : i32
    %dma_start3A_71 = arith.constant 0 : i32
    %dma_start3A_72 = tpu.memref_slice %arg2[%dma_start3A_70, %dma_start3A_71] : memref<10000x128xf32, #tpu.memory_space<hbm>> -> memref<10000x128xf32, #tpu.memory_space<hbm>>
    tpu.enqueue_indirect_dma source(%dma_start3A_72 : memref<10000x128xf32, #tpu.memory_space<hbm>>) target(%arg20 : memref<80x128xf32, #tpu.memory_space<vmem>>) offsets(%arg8 : memref<80xi32, #tpu.memory_space<vmem>>) semaphore(%arg31 : memref<!tpu.dma_semaphore, #tpu.memory_space<semaphore_mem>>)
    %barrier3A = arith.constant 0 : index
    tpu.barrier barrier_id(%barrier3A)
    %scan3A_73 = arith.constant 0 : i32
    %scan3A_74 = arith.constant 0 : i32
    %scan3A_75 = arith.constant 31 : i32
    %scan3A_76 = arith.addi %scan3A_74, %scan3A_75 : i32
    %scan3A_77 = arith.constant 1 : i32
    %scan3A_78 = scf.for %scan3A_125 = %scan3A_74 to %scan3A_76 step %scan3A_77 iter_args(%scan3A_126 = %scan3A_73) -> (i32)  : i32 {
      %mul3A_127 = arith.constant 4 : i32
      %mul3A_128 = arith.muli %mul3A_127, %scan3A_125 : i32
      %add3A_129 = arith.constant 0 : i32
      %add3A_130 = arith.addi %mul3A_128, %add3A_129 : i32
      %add3A_131 = arith.constant 1 : i32
      %add3A_132 = arith.addi %add3A_130, %add3A_131 : i32
      %lt3A = arith.constant 125 : i32
      %lt3A_133 = arith.cmpi slt, %add3A_132, %lt3A : i32
      %convert_element_type3A = arith.extui %lt3A_133 : i1 to i32
      %cond3A = arith.constant 0 : i32
      %cond3A_134 = arith.cmpi ne, %convert_element_type3A, %cond3A : i32
      scf.if %cond3A_134 {
        %add3A_312 = arith.constant 1 : i32
        %add3A_313 = arith.addi %add3A_130, %add3A_312 : i32
        %mul3A_314 = arith.constant 80 : i32
        %mul3A_315 = arith.muli %add3A_313, %mul3A_314 : i32
        %add3A_316 = arith.addi %mul3A_2, %mul3A_315 : i32
        %dma_wait3A_317 = tpu.memref_slice %arg3[%add3A_316] : memref<320000xi32, #tpu.memory_space<hbm>> -> memref<80xi32, #tpu.memory_space<hbm>>
        %dma_wait3A_318 = tpu.memref_slice %arg3[%add3A_316] : memref<320000xi32, #tpu.memory_space<hbm>> -> memref<80xi32, #tpu.memory_space<hbm>>
        tpu.wait_dma2 semaphore(%arg28 : memref<!tpu.dma_semaphore, #tpu.memory_space<semaphore_mem>>) src(%dma_wait3A_318 : memref<80xi32, #tpu.memory_space<hbm>>) dst(%arg9 : memref<80xi32, #tpu.memory_space<vmem>>)
        %dma_wait3A_319 = arith.constant 0 : i32
        %dma_wait3A_320 = tpu.memref_slice %arg4[%add3A, %add3A_313, %dma_wait3A_319] : memref<32x125x80xi32, #tpu.memory_space<hbm>> -> memref<1x1x80xi32, #tpu.memory_space<hbm>>
        %dma_wait3A_321 = tpu.memref_squeeze %dma_wait3A_320 : memref<1x1x80xi32, #tpu.memory_space<hbm>> -> memref<80xi32, #tpu.memory_space<hbm>>
        %dma_wait3A_322 = arith.constant 0 : i32
        %dma_wait3A_323 = tpu.memref_slice %arg4[%add3A, %add3A_313, %dma_wait3A_322] : memref<32x125x80xi32, #tpu.memory_space<hbm>> -> memref<1x1x80xi32, #tpu.memory_space<hbm>>
        %dma_wait3A_324 = tpu.memref_squeeze %dma_wait3A_323 : memref<1x1x80xi32, #tpu.memory_space<hbm>> -> memref<80xi32, #tpu.memory_space<hbm>>
        tpu.wait_dma2 semaphore(%arg28 : memref<!tpu.dma_semaphore, #tpu.memory_space<semaphore_mem>>) src(%dma_wait3A_324 : memref<80xi32, #tpu.memory_space<hbm>>) dst(%arg13 : memref<80xi32, #tpu.memory_space<vmem>>)
        %dma_wait3A_325 = tpu.memref_slice %arg5[%add3A_316] : memref<320000xf32, #tpu.memory_space<hbm>> -> memref<80xf32, #tpu.memory_space<hbm>>
        %dma_wait3A_326 = tpu.memref_slice %arg5[%add3A_316] : memref<320000xf32, #tpu.memory_space<hbm>> -> memref<80xf32, #tpu.memory_space<hbm>>
        tpu.wait_dma2 semaphore(%arg28 : memref<!tpu.dma_semaphore, #tpu.memory_space<semaphore_mem>>) src(%dma_wait3A_326 : memref<80xf32, #tpu.memory_space<hbm>>) dst(%arg17 : memref<80xf32, #tpu.memory_space<vmem>>)
      } else {
      }
      %ge3A = arith.constant 2 : i32
      %ge3A_135 = arith.cmpi sge, %add3A_130, %ge3A : i32
      %convert_element_type3A_136 = arith.extui %ge3A_135 : i1 to i32
      %cond3A_137 = arith.constant 0 : i32
      %cond3A_138 = arith.cmpi ne, %convert_element_type3A_136, %cond3A_137 : i32
      scf.if %cond3A_138 {
        %dma_wait3A_312 = arith.constant 0 : i32
        %dma_wait3A_313 = arith.constant 0 : i32
        %dma_wait3A_314 = tpu.memref_slice %arg25[%dma_wait3A_312, %dma_wait3A_313] : memref<10240x128xf32, #tpu.memory_space<vmem_shared>> -> memref<10240x128xf32, #tpu.memory_space<vmem_shared>>
        tpu.wait_indirect_dma semaphore(%arg37 : memref<!tpu.dma_semaphore, #tpu.memory_space<semaphore_mem>>) src(%arg22 : memref<80x128xf32, #tpu.memory_space<vmem>>) dst(%dma_wait3A_314 : memref<10240x128xf32, #tpu.memory_space<vmem_shared>>)
        %dma_wait3A_315 = arith.constant 0 : i32
        %dma_wait3A_316 = tpu.memref_slice %arg24[%dma_wait3A_315] : memref<80xf32, #tpu.memory_space<vmem>> -> memref<80xf32, #tpu.memory_space<vmem>>
        %dma_wait3A_317 = arith.constant 0 : i32
        %dma_wait3A_318 = tpu.memref_slice %arg26[%dma_wait3A_317] : memref<10240xf32, #tpu.memory_space<vmem_shared>> -> memref<10240xf32, #tpu.memory_space<vmem_shared>>
        tpu.wait_indirect_dma semaphore(%arg37 : memref<!tpu.dma_semaphore, #tpu.memory_space<semaphore_mem>>) src(%dma_wait3A_316 : memref<80xf32, #tpu.memory_space<vmem>>) dst(%dma_wait3A_318 : memref<10240xf32, #tpu.memory_space<vmem_shared>>)
      } else {
      }
      %add3A_139 = arith.constant 2 : i32
      %add3A_140 = arith.addi %add3A_130, %add3A_139 : i32
      %lt3A_141 = arith.constant 125 : i32
      %lt3A_142 = arith.cmpi slt, %add3A_140, %lt3A_141 : i32
      %convert_element_type3A_143 = arith.extui %lt3A_142 : i1 to i32
      %cond3A_144 = arith.constant 0 : i32
      %cond3A_145 = arith.cmpi ne, %convert_element_type3A_143, %cond3A_144 : i32
      scf.if %cond3A_145 {
        %add3A_312 = arith.constant 2 : i32
        %add3A_313 = arith.addi %add3A_130, %add3A_312 : i32
        %mul3A_314 = arith.constant 80 : i32
        %mul3A_315 = arith.muli %add3A_313, %mul3A_314 : i32
        %add3A_316 = arith.addi %mul3A_2, %mul3A_315 : i32
        %dma_start3A_317 = tpu.memref_slice %arg3[%add3A_316] : memref<320000xi32, #tpu.memory_space<hbm>> -> memref<80xi32, #tpu.memory_space<hbm>>
        %dma_start3A_318 = tpu.memref_slice %arg3[%add3A_316] : memref<320000xi32, #tpu.memory_space<hbm>> -> memref<80xi32, #tpu.memory_space<hbm>>
        tpu.enqueue_dma source(%dma_start3A_318 : memref<80xi32, #tpu.memory_space<hbm>>) target(%arg10 : memref<80xi32, #tpu.memory_space<vmem>>) target_semaphore(%arg29 : memref<!tpu.dma_semaphore, #tpu.memory_space<semaphore_mem>>)
        %dma_start3A_319 = arith.constant 0 : i32
        %dma_start3A_320 = tpu.memref_slice %arg4[%add3A, %add3A_313, %dma_start3A_319] : memref<32x125x80xi32, #tpu.memory_space<hbm>> -> memref<1x1x80xi32, #tpu.memory_space<hbm>>
        %dma_start3A_321 = tpu.memref_squeeze %dma_start3A_320 : memref<1x1x80xi32, #tpu.memory_space<hbm>> -> memref<80xi32, #tpu.memory_space<hbm>>
        %dma_start3A_322 = arith.constant 0 : i32
        %dma_start3A_323 = tpu.memref_slice %arg4[%add3A, %add3A_313, %dma_start3A_322] : memref<32x125x80xi32, #tpu.memory_space<hbm>> -> memref<1x1x80xi32, #tpu.memory_space<hbm>>
        %dma_start3A_324 = tpu.memref_squeeze %dma_start3A_323 : memref<1x1x80xi32, #tpu.memory_space<hbm>> -> memref<80xi32, #tpu.memory_space<hbm>>
        tpu.enqueue_dma source(%dma_start3A_324 : memref<80xi32, #tpu.memory_space<hbm>>) target(%arg14 : memref<80xi32, #tpu.memory_space<vmem>>) target_semaphore(%arg29 : memref<!tpu.dma_semaphore, #tpu.memory_space<semaphore_mem>>)
        %dma_start3A_325 = tpu.memref_slice %arg5[%add3A_316] : memref<320000xf32, #tpu.memory_space<hbm>> -> memref<80xf32, #tpu.memory_space<hbm>>
        %dma_start3A_326 = tpu.memref_slice %arg5[%add3A_316] : memref<320000xf32, #tpu.memory_space<hbm>> -> memref<80xf32, #tpu.memory_space<hbm>>
        tpu.enqueue_dma source(%dma_start3A_326 : memref<80xf32, #tpu.memory_space<hbm>>) target(%arg18 : memref<80xf32, #tpu.memory_space<vmem>>) target_semaphore(%arg29 : memref<!tpu.dma_semaphore, #tpu.memory_space<semaphore_mem>>)
      } else {
      }
      %add3A_146 = arith.constant 1 : i32
      %add3A_147 = arith.addi %add3A_130, %add3A_146 : i32
      %lt3A_148 = arith.constant 125 : i32
      %lt3A_149 = arith.cmpi slt, %add3A_147, %lt3A_148 : i32
      %convert_element_type3A_150 = arith.extui %lt3A_149 : i1 to i32
      %cond3A_151 = arith.constant 0 : i32
      %cond3A_152 = arith.cmpi ne, %convert_element_type3A_150, %cond3A_151 : i32
      scf.if %cond3A_152 {
        %dma_start3A_312 = arith.constant 0 : i32
        %dma_start3A_313 = arith.constant 0 : i32
        %dma_start3A_314 = tpu.memref_slice %arg2[%dma_start3A_312, %dma_start3A_313] : memref<10000x128xf32, #tpu.memory_space<hbm>> -> memref<10000x128xf32, #tpu.memory_space<hbm>>
        tpu.enqueue_indirect_dma source(%dma_start3A_314 : memref<10000x128xf32, #tpu.memory_space<hbm>>) target(%arg21 : memref<80x128xf32, #tpu.memory_space<vmem>>) offsets(%arg9 : memref<80xi32, #tpu.memory_space<vmem>>) semaphore(%arg32 : memref<!tpu.dma_semaphore, #tpu.memory_space<semaphore_mem>>)
      } else {
      }
      %dma_wait3A_153 = arith.constant 0 : i32
      %dma_wait3A_154 = arith.constant 0 : i32
      %dma_wait3A_155 = tpu.memref_slice %arg2[%dma_wait3A_153, %dma_wait3A_154] : memref<10000x128xf32, #tpu.memory_space<hbm>> -> memref<10000x128xf32, #tpu.memory_space<hbm>>
      tpu.wait_indirect_dma semaphore(%arg31 : memref<!tpu.dma_semaphore, #tpu.memory_space<semaphore_mem>>) src(%dma_wait3A_155 : memref<10000x128xf32, #tpu.memory_space<hbm>>) dst(%arg20 : memref<80x128xf32, #tpu.memory_space<vmem>>)
      %scan3A_156 = arith.constant 0 : i32
      %scan3A_157 = arith.constant 0 : i32
      %scan3A_158 = arith.constant 80 : i32
      %scan3A_159 = arith.addi %scan3A_157, %scan3A_158 : i32
      %scan3A_160 = arith.constant 1 : i32
      %scan3A_161 = scf.for %scan3A_312 = %scan3A_157 to %scan3A_159 step %scan3A_160 iter_args(%scan3A_313 = %scan3A_156) -> (i32)  : i32 {
        %broadcast_in_dim3A_314 = vector.broadcast %scan3A_312 : i32 to vector<16xi32>
        %gather3A = tpu.vector_load_idx %arg16[%broadcast_in_dim3A_314] : memref<80xf32, #tpu.memory_space<vmem>>[vector<16xi32>], vector<16xf32>,
        %get3A = arith.index_cast %scan3A_312 : i32 to index
        %get3A_315 = arith.constant 0 : index
        %get3A_316 = tpu.vector_load %arg20[%get3A, %get3A_315] {strides = array<i32>} : memref<80x128xf32, #tpu.memory_space<vmem>>, vector<16xf32>,
        %mul3A_317 = arith.mulf %get3A_316, %gather3A : vector<16xf32>
        %swap3A = arith.index_cast %scan3A_312 : i32 to index
        %swap3A_318 = arith.constant 0 : index
        %swap3A_319 = tpu.vector_load %arg20[%swap3A, %swap3A_318] {strides = array<i32>} : memref<80x128xf32, #tpu.memory_space<vmem>>, vector<16xf32>,
        tpu.vector_store %arg20[%swap3A, %swap3A_318], %mul3A_317 {strides = array<i32>} : memref<80x128xf32, #tpu.memory_space<vmem>>, vector<16xf32>,
        %get3A_320 = arith.index_cast %scan3A_312 : i32 to index
        %get3A_321 = arith.constant 16 : index
        %get3A_322 = tpu.vector_load %arg20[%get3A_320, %get3A_321] {strides = array<i32>} : memref<80x128xf32, #tpu.memory_space<vmem>>, vector<16xf32>,
        %mul3A_323 = arith.mulf %get3A_322, %gather3A : vector<16xf32>
        %swap3A_324 = arith.index_cast %scan3A_312 : i32 to index
        %swap3A_325 = arith.constant 16 : index
        %swap3A_326 = tpu.vector_load %arg20[%swap3A_324, %swap3A_325] {strides = array<i32>} : memref<80x128xf32, #tpu.memory_space<vmem>>, vector<16xf32>,
        tpu.vector_store %arg20[%swap3A_324, %swap3A_325], %mul3A_323 {strides = array<i32>} : memref<80x128xf32, #tpu.memory_space<vmem>>, vector<16xf32>,
        %get3A_327 = arith.index_cast %scan3A_312 : i32 to index
        %get3A_328 = arith.constant 32 : index
        %get3A_329 = tpu.vector_load %arg20[%get3A_327, %get3A_328] {strides = array<i32>} : memref<80x128xf32, #tpu.memory_space<vmem>>, vector<16xf32>,
        %mul3A_330 = arith.mulf %get3A_329, %gather3A : vector<16xf32>
        %swap3A_331 = arith.index_cast %scan3A_312 : i32 to index
        %swap3A_332 = arith.constant 32 : index
        %swap3A_333 = tpu.vector_load %arg20[%swap3A_331, %swap3A_332] {strides = array<i32>} : memref<80x128xf32, #tpu.memory_space<vmem>>, vector<16xf32>,
        tpu.vector_store %arg20[%swap3A_331, %swap3A_332], %mul3A_330 {strides = array<i32>} : memref<80x128xf32, #tpu.memory_space<vmem>>, vector<16xf32>,
        %get3A_334 = arith.index_cast %scan3A_312 : i32 to index
        %get3A_335 = arith.constant 48 : index
        %get3A_336 = tpu.vector_load %arg20[%get3A_334, %get3A_335] {strides = array<i32>} : memref<80x128xf32, #tpu.memory_space<vmem>>, vector<16xf32>,
        %mul3A_337 = arith.mulf %get3A_336, %gather3A : vector<16xf32>
        %swap3A_338 = arith.index_cast %scan3A_312 : i32 to index
        %swap3A_339 = arith.constant 48 : index
        %swap3A_340 = tpu.vector_load %arg20[%swap3A_338, %swap3A_339] {strides = array<i32>} : memref<80x128xf32, #tpu.memory_space<vmem>>, vector<16xf32>,
        tpu.vector_store %arg20[%swap3A_338, %swap3A_339], %mul3A_337 {strides = array<i32>} : memref<80x128xf32, #tpu.memory_space<vmem>>, vector<16xf32>,
        %get3A_341 = arith.index_cast %scan3A_312 : i32 to index
        %get3A_342 = arith.constant 64 : index
        %get3A_343 = tpu.vector_load %arg20[%get3A_341, %get3A_342] {strides = array<i32>} : memref<80x128xf32, #tpu.memory_space<vmem>>, vector<16xf32>,
        %mul3A_344 = arith.mulf %get3A_343, %gather3A : vector<16xf32>
        %swap3A_345 = arith.index_cast %scan3A_312 : i32 to index
        %swap3A_346 = arith.constant 64 : index
        %swap3A_347 = tpu.vector_load %arg20[%swap3A_345, %swap3A_346] {strides = array<i32>} : memref<80x128xf32, #tpu.memory_space<vmem>>, vector<16xf32>,
        tpu.vector_store %arg20[%swap3A_345, %swap3A_346], %mul3A_344 {strides = array<i32>} : memref<80x128xf32, #tpu.memory_space<vmem>>, vector<16xf32>,
        %get3A_348 = arith.index_cast %scan3A_312 : i32 to index
        %get3A_349 = arith.constant 80 : index
        %get3A_350 = tpu.vector_load %arg20[%get3A_348, %get3A_349] {strides = array<i32>} : memref<80x128xf32, #tpu.memory_space<vmem>>, vector<16xf32>,
        %mul3A_351 = arith.mulf %get3A_350, %gather3A : vector<16xf32>
        %swap3A_352 = arith.index_cast %scan3A_312 : i32 to index
        %swap3A_353 = arith.constant 80 : index
        %swap3A_354 = tpu.vector_load %arg20[%swap3A_352, %swap3A_353] {strides = array<i32>} : memref<80x128xf32, #tpu.memory_space<vmem>>, vector<16xf32>,
        tpu.vector_store %arg20[%swap3A_352, %swap3A_353], %mul3A_351 {strides = array<i32>} : memref<80x128xf32, #tpu.memory_space<vmem>>, vector<16xf32>,
        %get3A_355 = arith.index_cast %scan3A_312 : i32 to index
        %get3A_356 = arith.constant 96 : index
        %get3A_357 = tpu.vector_load %arg20[%get3A_355, %get3A_356] {strides = array<i32>} : memref<80x128xf32, #tpu.memory_space<vmem>>, vector<16xf32>,
        %mul3A_358 = arith.mulf %get3A_357, %gather3A : vector<16xf32>
        %swap3A_359 = arith.index_cast %scan3A_312 : i32 to index
        %swap3A_360 = arith.constant 96 : index
        %swap3A_361 = tpu.vector_load %arg20[%swap3A_359, %swap3A_360] {strides = array<i32>} : memref<80x128xf32, #tpu.memory_space<vmem>>, vector<16xf32>,
        tpu.vector_store %arg20[%swap3A_359, %swap3A_360], %mul3A_358 {strides = array<i32>} : memref<80x128xf32, #tpu.memory_space<vmem>>, vector<16xf32>,
        %get3A_362 = arith.index_cast %scan3A_312 : i32 to index
        %get3A_363 = arith.constant 112 : index
        %get3A_364 = tpu.vector_load %arg20[%get3A_362, %get3A_363] {strides = array<i32>} : memref<80x128xf32, #tpu.memory_space<vmem>>, vector<16xf32>,
        %mul3A_365 = arith.mulf %get3A_364, %gather3A : vector<16xf32>
        %swap3A_366 = arith.index_cast %scan3A_312 : i32 to index
        %swap3A_367 = arith.constant 112 : index
        %swap3A_368 = tpu.vector_load %arg20[%swap3A_366, %swap3A_367] {strides = array<i32>} : memref<80x128xf32, #tpu.memory_space<vmem>>, vector<16xf32>,
        tpu.vector_store %arg20[%swap3A_366, %swap3A_367], %mul3A_365 {strides = array<i32>} : memref<80x128xf32, #tpu.memory_space<vmem>>, vector<16xf32>,
        %scan3A_369 = arith.constant 0 : i32
        scf.yield %scan3A_369 : i32
      }
      %scan3A_162 = arith.constant 80 : i32
      %dma_start3A_163 = arith.constant 0 : i32
      %dma_start3A_164 = arith.constant 0 : i32
      %dma_start3A_165 = tpu.memref_slice %arg25[%dma_start3A_163, %dma_start3A_164] : memref<10240x128xf32, #tpu.memory_space<vmem_shared>> -> memref<10240x128xf32, #tpu.memory_space<vmem_shared>>
      tpu.enqueue_indirect_dma source(%arg20 : memref<80x128xf32, #tpu.memory_space<vmem>>) target(%dma_start3A_165 : memref<10240x128xf32, #tpu.memory_space<vmem_shared>>) offsets(%arg12 : memref<80xi32, #tpu.memory_space<vmem>>) semaphore(%arg35 : memref<!tpu.dma_semaphore, #tpu.memory_space<semaphore_mem>>) {add = true}
      %dma_start3A_166 = arith.constant 0 : i32
      %dma_start3A_167 = tpu.memref_slice %arg24[%dma_start3A_166] : memref<80xf32, #tpu.memory_space<vmem>> -> memref<80xf32, #tpu.memory_space<vmem>>
      %dma_start3A_168 = arith.constant 0 : i32
      %dma_start3A_169 = tpu.memref_slice %arg26[%dma_start3A_168] : memref<10240xf32, #tpu.memory_space<vmem_shared>> -> memref<10240xf32, #tpu.memory_space<vmem_shared>>
      tpu.enqueue_indirect_dma source(%dma_start3A_167 : memref<80xf32, #tpu.memory_space<vmem>>) target(%dma_start3A_169 : memref<10240xf32, #tpu.memory_space<vmem_shared>>) offsets(%arg12 : memref<80xi32, #tpu.memory_space<vmem>>) semaphore(%arg35 : memref<!tpu.dma_semaphore, #tpu.memory_space<semaphore_mem>>) {add = true}
      %mul3A_170 = arith.constant 4 : i32
      %mul3A_171 = arith.muli %mul3A_170, %scan3A_125 : i32
      %add3A_172 = arith.constant 1 : i32
      %add3A_173 = arith.addi %mul3A_171, %add3A_172 : i32
      %add3A_174 = arith.constant 1 : i32
      %add3A_175 = arith.addi %add3A_173, %add3A_174 : i32
      %lt3A_176 = arith.constant 125 : i32
      %lt3A_177 = arith.cmpi slt, %add3A_175, %lt3A_176 : i32
      %convert_element_type3A_178 = arith.extui %lt3A_177 : i1 to i32
      %cond3A_179 = arith.constant 0 : i32
      %cond3A_180 = arith.cmpi ne, %convert_element_type3A_178, %cond3A_179 : i32
      scf.if %cond3A_180 {
        %add3A_312 = arith.constant 1 : i32
        %add3A_313 = arith.addi %add3A_173, %add3A_312 : i32
        %mul3A_314 = arith.constant 80 : i32
        %mul3A_315 = arith.muli %add3A_313, %mul3A_314 : i32
        %add3A_316 = arith.addi %mul3A_2, %mul3A_315 : i32
        %dma_wait3A_317 = tpu.memref_slice %arg3[%add3A_316] : memref<320000xi32, #tpu.memory_space<hbm>> -> memref<80xi32, #tpu.memory_space<hbm>>
        %dma_wait3A_318 = tpu.memref_slice %arg3[%add3A_316] : memref<320000xi32, #tpu.memory_space<hbm>> -> memref<80xi32, #tpu.memory_space<hbm>>
        tpu.wait_dma2 semaphore(%arg29 : memref<!tpu.dma_semaphore, #tpu.memory_space<semaphore_mem>>) src(%dma_wait3A_318 : memref<80xi32, #tpu.memory_space<hbm>>) dst(%arg10 : memref<80xi32, #tpu.memory_space<vmem>>)
        %dma_wait3A_319 = arith.constant 0 : i32
        %dma_wait3A_320 = tpu.memref_slice %arg4[%add3A, %add3A_313, %dma_wait3A_319] : memref<32x125x80xi32, #tpu.memory_space<hbm>> -> memref<1x1x80xi32, #tpu.memory_space<hbm>>
        %dma_wait3A_321 = tpu.memref_squeeze %dma_wait3A_320 : memref<1x1x80xi32, #tpu.memory_space<hbm>> -> memref<80xi32, #tpu.memory_space<hbm>>
        %dma_wait3A_322 = arith.constant 0 : i32
        %dma_wait3A_323 = tpu.memref_slice %arg4[%add3A, %add3A_313, %dma_wait3A_322] : memref<32x125x80xi32, #tpu.memory_space<hbm>> -> memref<1x1x80xi32, #tpu.memory_space<hbm>>
        %dma_wait3A_324 = tpu.memref_squeeze %dma_wait3A_323 : memref<1x1x80xi32, #tpu.memory_space<hbm>> -> memref<80xi32, #tpu.memory_space<hbm>>
        tpu.wait_dma2 semaphore(%arg29 : memref<!tpu.dma_semaphore, #tpu.memory_space<semaphore_mem>>) src(%dma_wait3A_324 : memref<80xi32, #tpu.memory_space<hbm>>) dst(%arg14 : memref<80xi32, #tpu.memory_space<vmem>>)
        %dma_wait3A_325 = tpu.memref_slice %arg5[%add3A_316] : memref<320000xf32, #tpu.memory_space<hbm>> -> memref<80xf32, #tpu.memory_space<hbm>>
        %dma_wait3A_326 = tpu.memref_slice %arg5[%add3A_316] : memref<320000xf32, #tpu.memory_space<hbm>> -> memref<80xf32, #tpu.memory_space<hbm>>
        tpu.wait_dma2 semaphore(%arg29 : memref<!tpu.dma_semaphore, #tpu.memory_space<semaphore_mem>>) src(%dma_wait3A_326 : memref<80xf32, #tpu.memory_space<hbm>>) dst(%arg18 : memref<80xf32, #tpu.memory_space<vmem>>)
      } else {
      }
      %ge3A_181 = arith.constant 2 : i32
      %ge3A_182 = arith.cmpi sge, %add3A_173, %ge3A_181 : i32
      %convert_element_type3A_183 = arith.extui %ge3A_182 : i1 to i32
      %cond3A_184 = arith.constant 0 : i32
      %cond3A_185 = arith.cmpi ne, %convert_element_type3A_183, %cond3A_184 : i32
      scf.if %cond3A_185 {
        %dma_wait3A_312 = arith.constant 0 : i32
        %dma_wait3A_313 = arith.constant 0 : i32
        %dma_wait3A_314 = tpu.memref_slice %arg25[%dma_wait3A_312, %dma_wait3A_313] : memref<10240x128xf32, #tpu.memory_space<vmem_shared>> -> memref<10240x128xf32, #tpu.memory_space<vmem_shared>>
        tpu.wait_indirect_dma semaphore(%arg38 : memref<!tpu.dma_semaphore, #tpu.memory_space<semaphore_mem>>) src(%arg23 : memref<80x128xf32, #tpu.memory_space<vmem>>) dst(%dma_wait3A_314 : memref<10240x128xf32, #tpu.memory_space<vmem_shared>>)
        %dma_wait3A_315 = arith.constant 0 : i32
        %dma_wait3A_316 = tpu.memref_slice %arg24[%dma_wait3A_315] : memref<80xf32, #tpu.memory_space<vmem>> -> memref<80xf32, #tpu.memory_space<vmem>>
        %dma_wait3A_317 = arith.constant 0 : i32
        %dma_wait3A_318 = tpu.memref_slice %arg26[%dma_wait3A_317] : memref<10240xf32, #tpu.memory_space<vmem_shared>> -> memref<10240xf32, #tpu.memory_space<vmem_shared>>
        tpu.wait_indirect_dma semaphore(%arg38 : memref<!tpu.dma_semaphore, #tpu.memory_space<semaphore_mem>>) src(%dma_wait3A_316 : memref<80xf32, #tpu.memory_space<vmem>>) dst(%dma_wait3A_318 : memref<10240xf32, #tpu.memory_space<vmem_shared>>)
      } else {
      }
      %add3A_186 = arith.constant 2 : i32
      %add3A_187 = arith.addi %add3A_173, %add3A_186 : i32
      %lt3A_188 = arith.constant 125 : i32
      %lt3A_189 = arith.cmpi slt, %add3A_187, %lt3A_188 : i32
      %convert_element_type3A_190 = arith.extui %lt3A_189 : i1 to i32
      %cond3A_191 = arith.constant 0 : i32
      %cond3A_192 = arith.cmpi ne, %convert_element_type3A_190, %cond3A_191 : i32
      scf.if %cond3A_192 {
        %add3A_312 = arith.constant 2 : i32
        %add3A_313 = arith.addi %add3A_173, %add3A_312 : i32
        %mul3A_314 = arith.constant 80 : i32
        %mul3A_315 = arith.muli %add3A_313, %mul3A_314 : i32
        %add3A_316 = arith.addi %mul3A_2, %mul3A_315 : i32
        %dma_start3A_317 = tpu.memref_slice %arg3[%add3A_316] : memref<320000xi32, #tpu.memory_space<hbm>> -> memref<80xi32, #tpu.memory_space<hbm>>
        %dma_start3A_318 = tpu.memref_slice %arg3[%add3A_316] : memref<320000xi32, #tpu.memory_space<hbm>> -> memref<80xi32, #tpu.memory_space<hbm>>
        tpu.enqueue_dma source(%dma_start3A_318 : memref<80xi32, #tpu.memory_space<hbm>>) target(%arg11 : memref<80xi32, #tpu.memory_space<vmem>>) target_semaphore(%arg30 : memref<!tpu.dma_semaphore, #tpu.memory_space<semaphore_mem>>)
        %dma_start3A_319 = arith.constant 0 : i32
        %dma_start3A_320 = tpu.memref_slice %arg4[%add3A, %add3A_313, %dma_start3A_319] : memref<32x125x80xi32, #tpu.memory_space<hbm>> -> memref<1x1x80xi32, #tpu.memory_space<hbm>>
        %dma_start3A_321 = tpu.memref_squeeze %dma_start3A_320 : memref<1x1x80xi32, #tpu.memory_space<hbm>> -> memref<80xi32, #tpu.memory_space<hbm>>
        %dma_start3A_322 = arith.constant 0 : i32
        %dma_start3A_323 = tpu.memref_slice %arg4[%add3A, %add3A_313, %dma_start3A_322] : memref<32x125x80xi32, #tpu.memory_space<hbm>> -> memref<1x1x80xi32, #tpu.memory_space<hbm>>
        %dma_start3A_324 = tpu.memref_squeeze %dma_start3A_323 : memref<1x1x80xi32, #tpu.memory_space<hbm>> -> memref<80xi32, #tpu.memory_space<hbm>>
        tpu.enqueue_dma source(%dma_start3A_324 : memref<80xi32, #tpu.memory_space<hbm>>) target(%arg15 : memref<80xi32, #tpu.memory_space<vmem>>) target_semaphore(%arg30 : memref<!tpu.dma_semaphore, #tpu.memory_space<semaphore_mem>>)
        %dma_start3A_325 = tpu.memref_slice %arg5[%add3A_316] : memref<320000xf32, #tpu.memory_space<hbm>> -> memref<80xf32, #tpu.memory_space<hbm>>
        %dma_start3A_326 = tpu.memref_slice %arg5[%add3A_316] : memref<320000xf32, #tpu.memory_space<hbm>> -> memref<80xf32, #tpu.memory_space<hbm>>
        tpu.enqueue_dma source(%dma_start3A_326 : memref<80xf32, #tpu.memory_space<hbm>>) target(%arg19 : memref<80xf32, #tpu.memory_space<vmem>>) target_semaphore(%arg30 : memref<!tpu.dma_semaphore, #tpu.memory_space<semaphore_mem>>)
      } else {
      }
      %add3A_193 = arith.constant 1 : i32
      %add3A_194 = arith.addi %add3A_173, %add3A_193 : i32
      %lt3A_195 = arith.constant 125 : i32
      %lt3A_196 = arith.cmpi slt, %add3A_194, %lt3A_195 : i32
      %convert_element_type3A_197 = arith.extui %lt3A_196 : i1 to i32
      %cond3A_198 = arith.constant 0 : i32
      %cond3A_199 = arith.cmpi ne, %convert_element_type3A_197, %cond3A_198 : i32
      scf.if %cond3A_199 {
        %dma_start3A_312 = arith.constant 0 : i32
        %dma_start3A_313 = arith.constant 0 : i32
        %dma_start3A_314 = tpu.memref_slice %arg2[%dma_start3A_312, %dma_start3A_313] : memref<10000x128xf32, #tpu.memory_space<hbm>> -> memref<10000x128xf32, #tpu.memory_space<hbm>>
        tpu.enqueue_indirect_dma source(%dma_start3A_314 : memref<10000x128xf32, #tpu.memory_space<hbm>>) target(%arg22 : memref<80x128xf32, #tpu.memory_space<vmem>>) offsets(%arg10 : memref<80xi32, #tpu.memory_space<vmem>>) semaphore(%arg33 : memref<!tpu.dma_semaphore, #tpu.memory_space<semaphore_mem>>)
      } else {
      }
      %dma_wait3A_200 = arith.constant 0 : i32
      %dma_wait3A_201 = arith.constant 0 : i32
      %dma_wait3A_202 = tpu.memref_slice %arg2[%dma_wait3A_200, %dma_wait3A_201] : memref<10000x128xf32, #tpu.memory_space<hbm>> -> memref<10000x128xf32, #tpu.memory_space<hbm>>
      tpu.wait_indirect_dma semaphore(%arg32 : memref<!tpu.dma_semaphore, #tpu.memory_space<semaphore_mem>>) src(%dma_wait3A_202 : memref<10000x128xf32, #tpu.memory_space<hbm>>) dst(%arg21 : memref<80x128xf32, #tpu.memory_space<vmem>>)
      %scan3A_203 = arith.constant 0 : i32
      %scan3A_204 = arith.constant 0 : i32
      %scan3A_205 = arith.constant 80 : i32
      %scan3A_206 = arith.addi %scan3A_204, %scan3A_205 : i32
      %scan3A_207 = arith.constant 1 : i32
      %scan3A_208 = scf.for %scan3A_312 = %scan3A_204 to %scan3A_206 step %scan3A_207 iter_args(%scan3A_313 = %scan3A_203) -> (i32)  : i32 {
        %broadcast_in_dim3A_314 = vector.broadcast %scan3A_312 : i32 to vector<16xi32>
        %gather3A = tpu.vector_load_idx %arg17[%broadcast_in_dim3A_314] : memref<80xf32, #tpu.memory_space<vmem>>[vector<16xi32>], vector<16xf32>,
        %get3A = arith.index_cast %scan3A_312 : i32 to index
        %get3A_315 = arith.constant 0 : index
        %get3A_316 = tpu.vector_load %arg21[%get3A, %get3A_315] {strides = array<i32>} : memref<80x128xf32, #tpu.memory_space<vmem>>, vector<16xf32>,
        %mul3A_317 = arith.mulf %get3A_316, %gather3A : vector<16xf32>
        %swap3A = arith.index_cast %scan3A_312 : i32 to index
        %swap3A_318 = arith.constant 0 : index
        %swap3A_319 = tpu.vector_load %arg21[%swap3A, %swap3A_318] {strides = array<i32>} : memref<80x128xf32, #tpu.memory_space<vmem>>, vector<16xf32>,
        tpu.vector_store %arg21[%swap3A, %swap3A_318], %mul3A_317 {strides = array<i32>} : memref<80x128xf32, #tpu.memory_space<vmem>>, vector<16xf32>,
        %get3A_320 = arith.index_cast %scan3A_312 : i32 to index
        %get3A_321 = arith.constant 16 : index
        %get3A_322 = tpu.vector_load %arg21[%get3A_320, %get3A_321] {strides = array<i32>} : memref<80x128xf32, #tpu.memory_space<vmem>>, vector<16xf32>,
        %mul3A_323 = arith.mulf %get3A_322, %gather3A : vector<16xf32>
        %swap3A_324 = arith.index_cast %scan3A_312 : i32 to index
        %swap3A_325 = arith.constant 16 : index
        %swap3A_326 = tpu.vector_load %arg21[%swap3A_324, %swap3A_325] {strides = array<i32>} : memref<80x128xf32, #tpu.memory_space<vmem>>, vector<16xf32>,
        tpu.vector_store %arg21[%swap3A_324, %swap3A_325], %mul3A_323 {strides = array<i32>} : memref<80x128xf32, #tpu.memory_space<vmem>>, vector<16xf32>,
        %get3A_327 = arith.index_cast %scan3A_312 : i32 to index
        %get3A_328 = arith.constant 32 : index
        %get3A_329 = tpu.vector_load %arg21[%get3A_327, %get3A_328] {strides = array<i32>} : memref<80x128xf32, #tpu.memory_space<vmem>>, vector<16xf32>,
        %mul3A_330 = arith.mulf %get3A_329, %gather3A : vector<16xf32>
        %swap3A_331 = arith.index_cast %scan3A_312 : i32 to index
        %swap3A_332 = arith.constant 32 : index
        %swap3A_333 = tpu.vector_load %arg21[%swap3A_331, %swap3A_332] {strides = array<i32>} : memref<80x128xf32, #tpu.memory_space<vmem>>, vector<16xf32>,
        tpu.vector_store %arg21[%swap3A_331, %swap3A_332], %mul3A_330 {strides = array<i32>} : memref<80x128xf32, #tpu.memory_space<vmem>>, vector<16xf32>,
        %get3A_334 = arith.index_cast %scan3A_312 : i32 to index
        %get3A_335 = arith.constant 48 : index
        %get3A_336 = tpu.vector_load %arg21[%get3A_334, %get3A_335] {strides = array<i32>} : memref<80x128xf32, #tpu.memory_space<vmem>>, vector<16xf32>,
        %mul3A_337 = arith.mulf %get3A_336, %gather3A : vector<16xf32>
        %swap3A_338 = arith.index_cast %scan3A_312 : i32 to index
        %swap3A_339 = arith.constant 48 : index
        %swap3A_340 = tpu.vector_load %arg21[%swap3A_338, %swap3A_339] {strides = array<i32>} : memref<80x128xf32, #tpu.memory_space<vmem>>, vector<16xf32>,
        tpu.vector_store %arg21[%swap3A_338, %swap3A_339], %mul3A_337 {strides = array<i32>} : memref<80x128xf32, #tpu.memory_space<vmem>>, vector<16xf32>,
        %get3A_341 = arith.index_cast %scan3A_312 : i32 to index
        %get3A_342 = arith.constant 64 : index
        %get3A_343 = tpu.vector_load %arg21[%get3A_341, %get3A_342] {strides = array<i32>} : memref<80x128xf32, #tpu.memory_space<vmem>>, vector<16xf32>,
        %mul3A_344 = arith.mulf %get3A_343, %gather3A : vector<16xf32>
        %swap3A_345 = arith.index_cast %scan3A_312 : i32 to index
        %swap3A_346 = arith.constant 64 : index
        %swap3A_347 = tpu.vector_load %arg21[%swap3A_345, %swap3A_346] {strides = array<i32>} : memref<80x128xf32, #tpu.memory_space<vmem>>, vector<16xf32>,
        tpu.vector_store %arg21[%swap3A_345, %swap3A_346], %mul3A_344 {strides = array<i32>} : memref<80x128xf32, #tpu.memory_space<vmem>>, vector<16xf32>,
        %get3A_348 = arith.index_cast %scan3A_312 : i32 to index
        %get3A_349 = arith.constant 80 : index
        %get3A_350 = tpu.vector_load %arg21[%get3A_348, %get3A_349] {strides = array<i32>} : memref<80x128xf32, #tpu.memory_space<vmem>>, vector<16xf32>,
        %mul3A_351 = arith.mulf %get3A_350, %gather3A : vector<16xf32>
        %swap3A_352 = arith.index_cast %scan3A_312 : i32 to index
        %swap3A_353 = arith.constant 80 : index
        %swap3A_354 = tpu.vector_load %arg21[%swap3A_352, %swap3A_353] {strides = array<i32>} : memref<80x128xf32, #tpu.memory_space<vmem>>, vector<16xf32>,
        tpu.vector_store %arg21[%swap3A_352, %swap3A_353], %mul3A_351 {strides = array<i32>} : memref<80x128xf32, #tpu.memory_space<vmem>>, vector<16xf32>,
        %get3A_355 = arith.index_cast %scan3A_312 : i32 to index
        %get3A_356 = arith.constant 96 : index
        %get3A_357 = tpu.vector_load %arg21[%get3A_355, %get3A_356] {strides = array<i32>} : memref<80x128xf32, #tpu.memory_space<vmem>>, vector<16xf32>,
        %mul3A_358 = arith.mulf %get3A_357, %gather3A : vector<16xf32>
        %swap3A_359 = arith.index_cast %scan3A_312 : i32 to index
        %swap3A_360 = arith.constant 96 : index
        %swap3A_361 = tpu.vector_load %arg21[%swap3A_359, %swap3A_360] {strides = array<i32>} : memref<80x128xf32, #tpu.memory_space<vmem>>, vector<16xf32>,
        tpu.vector_store %arg21[%swap3A_359, %swap3A_360], %mul3A_358 {strides = array<i32>} : memref<80x128xf32, #tpu.memory_space<vmem>>, vector<16xf32>,
        %get3A_362 = arith.index_cast %scan3A_312 : i32 to index
        %get3A_363 = arith.constant 112 : index
        %get3A_364 = tpu.vector_load %arg21[%get3A_362, %get3A_363] {strides = array<i32>} : memref<80x128xf32, #tpu.memory_space<vmem>>, vector<16xf32>,
        %mul3A_365 = arith.mulf %get3A_364, %gather3A : vector<16xf32>
        %swap3A_366 = arith.index_cast %scan3A_312 : i32 to index
        %swap3A_367 = arith.constant 112 : index
        %swap3A_368 = tpu.vector_load %arg21[%swap3A_366, %swap3A_367] {strides = array<i32>} : memref<80x128xf32, #tpu.memory_space<vmem>>, vector<16xf32>,
        tpu.vector_store %arg21[%swap3A_366, %swap3A_367], %mul3A_365 {strides = array<i32>} : memref<80x128xf32, #tpu.memory_space<vmem>>, vector<16xf32>,
        %scan3A_369 = arith.constant 0 : i32
        scf.yield %scan3A_369 : i32
      }
      %scan3A_209 = arith.constant 80 : i32
      %dma_start3A_210 = arith.constant 0 : i32
      %dma_start3A_211 = arith.constant 0 : i32
      %dma_start3A_212 = tpu.memref_slice %arg25[%dma_start3A_210, %dma_start3A_211] : memref<10240x128xf32, #tpu.memory_space<vmem_shared>> -> memref<10240x128xf32, #tpu.memory_space<vmem_shared>>
      tpu.enqueue_indirect_dma source(%arg21 : memref<80x128xf32, #tpu.memory_space<vmem>>) target(%dma_start3A_212 : memref<10240x128xf32, #tpu.memory_space<vmem_shared>>) offsets(%arg13 : memref<80xi32, #tpu.memory_space<vmem>>) semaphore(%arg36 : memref<!tpu.dma_semaphore, #tpu.memory_space<semaphore_mem>>) {add = true}
      %dma_start3A_213 = arith.constant 0 : i32
      %dma_start3A_214 = tpu.memref_slice %arg24[%dma_start3A_213] : memref<80xf32, #tpu.memory_space<vmem>> -> memref<80xf32, #tpu.memory_space<vmem>>
      %dma_start3A_215 = arith.constant 0 : i32
      %dma_start3A_216 = tpu.memref_slice %arg26[%dma_start3A_215] : memref<10240xf32, #tpu.memory_space<vmem_shared>> -> memref<10240xf32, #tpu.memory_space<vmem_shared>>
      tpu.enqueue_indirect_dma source(%dma_start3A_214 : memref<80xf32, #tpu.memory_space<vmem>>) target(%dma_start3A_216 : memref<10240xf32, #tpu.memory_space<vmem_shared>>) offsets(%arg13 : memref<80xi32, #tpu.memory_space<vmem>>) semaphore(%arg36 : memref<!tpu.dma_semaphore, #tpu.memory_space<semaphore_mem>>) {add = true}
      %mul3A_217 = arith.constant 4 : i32
      %mul3A_218 = arith.muli %mul3A_217, %scan3A_125 : i32
      %add3A_219 = arith.constant 2 : i32
      %add3A_220 = arith.addi %mul3A_218, %add3A_219 : i32
      %add3A_221 = arith.constant 1 : i32
      %add3A_222 = arith.addi %add3A_220, %add3A_221 : i32
      %lt3A_223 = arith.constant 125 : i32
      %lt3A_224 = arith.cmpi slt, %add3A_222, %lt3A_223 : i32
      %convert_element_type3A_225 = arith.extui %lt3A_224 : i1 to i32
      %cond3A_226 = arith.constant 0 : i32
      %cond3A_227 = arith.cmpi ne, %convert_element_type3A_225, %cond3A_226 : i32
      scf.if %cond3A_227 {
        %add3A_312 = arith.constant 1 : i32
        %add3A_313 = arith.addi %add3A_220, %add3A_312 : i32
        %mul3A_314 = arith.constant 80 : i32
        %mul3A_315 = arith.muli %add3A_313, %mul3A_314 : i32
        %add3A_316 = arith.addi %mul3A_2, %mul3A_315 : i32
        %dma_wait3A_317 = tpu.memref_slice %arg3[%add3A_316] : memref<320000xi32, #tpu.memory_space<hbm>> -> memref<80xi32, #tpu.memory_space<hbm>>
        %dma_wait3A_318 = tpu.memref_slice %arg3[%add3A_316] : memref<320000xi32, #tpu.memory_space<hbm>> -> memref<80xi32, #tpu.memory_space<hbm>>
        tpu.wait_dma2 semaphore(%arg30 : memref<!tpu.dma_semaphore, #tpu.memory_space<semaphore_mem>>) src(%dma_wait3A_318 : memref<80xi32, #tpu.memory_space<hbm>>) dst(%arg11 : memref<80xi32, #tpu.memory_space<vmem>>)
        %dma_wait3A_319 = arith.constant 0 : i32
        %dma_wait3A_320 = tpu.memref_slice %arg4[%add3A, %add3A_313, %dma_wait3A_319] : memref<32x125x80xi32, #tpu.memory_space<hbm>> -> memref<1x1x80xi32, #tpu.memory_space<hbm>>
        %dma_wait3A_321 = tpu.memref_squeeze %dma_wait3A_320 : memref<1x1x80xi32, #tpu.memory_space<hbm>> -> memref<80xi32, #tpu.memory_space<hbm>>
        %dma_wait3A_322 = arith.constant 0 : i32
        %dma_wait3A_323 = tpu.memref_slice %arg4[%add3A, %add3A_313, %dma_wait3A_322] : memref<32x125x80xi32, #tpu.memory_space<hbm>> -> memref<1x1x80xi32, #tpu.memory_space<hbm>>
        %dma_wait3A_324 = tpu.memref_squeeze %dma_wait3A_323 : memref<1x1x80xi32, #tpu.memory_space<hbm>> -> memref<80xi32, #tpu.memory_space<hbm>>
        tpu.wait_dma2 semaphore(%arg30 : memref<!tpu.dma_semaphore, #tpu.memory_space<semaphore_mem>>) src(%dma_wait3A_324 : memref<80xi32, #tpu.memory_space<hbm>>) dst(%arg15 : memref<80xi32, #tpu.memory_space<vmem>>)
        %dma_wait3A_325 = tpu.memref_slice %arg5[%add3A_316] : memref<320000xf32, #tpu.memory_space<hbm>> -> memref<80xf32, #tpu.memory_space<hbm>>
        %dma_wait3A_326 = tpu.memref_slice %arg5[%add3A_316] : memref<320000xf32, #tpu.memory_space<hbm>> -> memref<80xf32, #tpu.memory_space<hbm>>
        tpu.wait_dma2 semaphore(%arg30 : memref<!tpu.dma_semaphore, #tpu.memory_space<semaphore_mem>>) src(%dma_wait3A_326 : memref<80xf32, #tpu.memory_space<hbm>>) dst(%arg19 : memref<80xf32, #tpu.memory_space<vmem>>)
      } else {
      }
      %ge3A_228 = arith.constant 2 : i32
      %ge3A_229 = arith.cmpi sge, %add3A_220, %ge3A_228 : i32
      %convert_element_type3A_230 = arith.extui %ge3A_229 : i1 to i32
      %cond3A_231 = arith.constant 0 : i32
      %cond3A_232 = arith.cmpi ne, %convert_element_type3A_230, %cond3A_231 : i32
      scf.if %cond3A_232 {
        %dma_wait3A_312 = arith.constant 0 : i32
        %dma_wait3A_313 = arith.constant 0 : i32
        %dma_wait3A_314 = tpu.memref_slice %arg25[%dma_wait3A_312, %dma_wait3A_313] : memref<10240x128xf32, #tpu.memory_space<vmem_shared>> -> memref<10240x128xf32, #tpu.memory_space<vmem_shared>>
        tpu.wait_indirect_dma semaphore(%arg35 : memref<!tpu.dma_semaphore, #tpu.memory_space<semaphore_mem>>) src(%arg20 : memref<80x128xf32, #tpu.memory_space<vmem>>) dst(%dma_wait3A_314 : memref<10240x128xf32, #tpu.memory_space<vmem_shared>>)
        %dma_wait3A_315 = arith.constant 0 : i32
        %dma_wait3A_316 = tpu.memref_slice %arg24[%dma_wait3A_315] : memref<80xf32, #tpu.memory_space<vmem>> -> memref<80xf32, #tpu.memory_space<vmem>>
        %dma_wait3A_317 = arith.constant 0 : i32
        %dma_wait3A_318 = tpu.memref_slice %arg26[%dma_wait3A_317] : memref<10240xf32, #tpu.memory_space<vmem_shared>> -> memref<10240xf32, #tpu.memory_space<vmem_shared>>
        tpu.wait_indirect_dma semaphore(%arg35 : memref<!tpu.dma_semaphore, #tpu.memory_space<semaphore_mem>>) src(%dma_wait3A_316 : memref<80xf32, #tpu.memory_space<vmem>>) dst(%dma_wait3A_318 : memref<10240xf32, #tpu.memory_space<vmem_shared>>)
      } else {
      }
      %add3A_233 = arith.constant 2 : i32
      %add3A_234 = arith.addi %add3A_220, %add3A_233 : i32
      %lt3A_235 = arith.constant 125 : i32
      %lt3A_236 = arith.cmpi slt, %add3A_234, %lt3A_235 : i32
      %convert_element_type3A_237 = arith.extui %lt3A_236 : i1 to i32
      %cond3A_238 = arith.constant 0 : i32
      %cond3A_239 = arith.cmpi ne, %convert_element_type3A_237, %cond3A_238 : i32
      scf.if %cond3A_239 {
        %add3A_312 = arith.constant 2 : i32
        %add3A_313 = arith.addi %add3A_220, %add3A_312 : i32
        %mul3A_314 = arith.constant 80 : i32
        %mul3A_315 = arith.muli %add3A_313, %mul3A_314 : i32
        %add3A_316 = arith.addi %mul3A_2, %mul3A_315 : i32
        %dma_start3A_317 = tpu.memref_slice %arg3[%add3A_316] : memref<320000xi32, #tpu.memory_space<hbm>> -> memref<80xi32, #tpu.memory_space<hbm>>
        %dma_start3A_318 = tpu.memref_slice %arg3[%add3A_316] : memref<320000xi32, #tpu.memory_space<hbm>> -> memref<80xi32, #tpu.memory_space<hbm>>
        tpu.enqueue_dma source(%dma_start3A_318 : memref<80xi32, #tpu.memory_space<hbm>>) target(%arg8 : memref<80xi32, #tpu.memory_space<vmem>>) target_semaphore(%arg27 : memref<!tpu.dma_semaphore, #tpu.memory_space<semaphore_mem>>)
        %dma_start3A_319 = arith.constant 0 : i32
        %dma_start3A_320 = tpu.memref_slice %arg4[%add3A, %add3A_313, %dma_start3A_319] : memref<32x125x80xi32, #tpu.memory_space<hbm>> -> memref<1x1x80xi32, #tpu.memory_space<hbm>>
        %dma_start3A_321 = tpu.memref_squeeze %dma_start3A_320 : memref<1x1x80xi32, #tpu.memory_space<hbm>> -> memref<80xi32, #tpu.memory_space<hbm>>
        %dma_start3A_322 = arith.constant 0 : i32
        %dma_start3A_323 = tpu.memref_slice %arg4[%add3A, %add3A_313, %dma_start3A_322] : memref<32x125x80xi32, #tpu.memory_space<hbm>> -> memref<1x1x80xi32, #tpu.memory_space<hbm>>
        %dma_start3A_324 = tpu.memref_squeeze %dma_start3A_323 : memref<1x1x80xi32, #tpu.memory_space<hbm>> -> memref<80xi32, #tpu.memory_space<hbm>>
        tpu.enqueue_dma source(%dma_start3A_324 : memref<80xi32, #tpu.memory_space<hbm>>) target(%arg12 : memref<80xi32, #tpu.memory_space<vmem>>) target_semaphore(%arg27 : memref<!tpu.dma_semaphore, #tpu.memory_space<semaphore_mem>>)
        %dma_start3A_325 = tpu.memref_slice %arg5[%add3A_316] : memref<320000xf32, #tpu.memory_space<hbm>> -> memref<80xf32, #tpu.memory_space<hbm>>
        %dma_start3A_326 = tpu.memref_slice %arg5[%add3A_316] : memref<320000xf32, #tpu.memory_space<hbm>> -> memref<80xf32, #tpu.memory_space<hbm>>
        tpu.enqueue_dma source(%dma_start3A_326 : memref<80xf32, #tpu.memory_space<hbm>>) target(%arg16 : memref<80xf32, #tpu.memory_space<vmem>>) target_semaphore(%arg27 : memref<!tpu.dma_semaphore, #tpu.memory_space<semaphore_mem>>)
      } else {
      }
      %add3A_240 = arith.constant 1 : i32
      %add3A_241 = arith.addi %add3A_220, %add3A_240 : i32
      %lt3A_242 = arith.constant 125 : i32
      %lt3A_243 = arith.cmpi slt, %add3A_241, %lt3A_242 : i32
      %convert_element_type3A_244 = arith.extui %lt3A_243 : i1 to i32
      %cond3A_245 = arith.constant 0 : i32
      %cond3A_246 = arith.cmpi ne, %convert_element_type3A_244, %cond3A_245 : i32
      scf.if %cond3A_246 {
        %dma_start3A_312 = arith.constant 0 : i32
        %dma_start3A_313 = arith.constant 0 : i32
        %dma_start3A_314 = tpu.memref_slice %arg2[%dma_start3A_312, %dma_start3A_313] : memref<10000x128xf32, #tpu.memory_space<hbm>> -> memref<10000x128xf32, #tpu.memory_space<hbm>>
        tpu.enqueue_indirect_dma source(%dma_start3A_314 : memref<10000x128xf32, #tpu.memory_space<hbm>>) target(%arg23 : memref<80x128xf32, #tpu.memory_space<vmem>>) offsets(%arg11 : memref<80xi32, #tpu.memory_space<vmem>>) semaphore(%arg34 : memref<!tpu.dma_semaphore, #tpu.memory_space<semaphore_mem>>)
      } else {
      }
      %dma_wait3A_247 = arith.constant 0 : i32
      %dma_wait3A_248 = arith.constant 0 : i32
      %dma_wait3A_249 = tpu.memref_slice %arg2[%dma_wait3A_247, %dma_wait3A_248] : memref<10000x128xf32, #tpu.memory_space<hbm>> -> memref<10000x128xf32, #tpu.memory_space<hbm>>
      tpu.wait_indirect_dma semaphore(%arg33 : memref<!tpu.dma_semaphore, #tpu.memory_space<semaphore_mem>>) src(%dma_wait3A_249 : memref<10000x128xf32, #tpu.memory_space<hbm>>) dst(%arg22 : memref<80x128xf32, #tpu.memory_space<vmem>>)
      %scan3A_250 = arith.constant 0 : i32
      %scan3A_251 = arith.constant 0 : i32
      %scan3A_252 = arith.constant 80 : i32
      %scan3A_253 = arith.addi %scan3A_251, %scan3A_252 : i32
      %scan3A_254 = arith.constant 1 : i32
      %scan3A_255 = scf.for %scan3A_312 = %scan3A_251 to %scan3A_253 step %scan3A_254 iter_args(%scan3A_313 = %scan3A_250) -> (i32)  : i32 {
        %broadcast_in_dim3A_314 = vector.broadcast %scan3A_312 : i32 to vector<16xi32>
        %gather3A = tpu.vector_load_idx %arg18[%broadcast_in_dim3A_314] : memref<80xf32, #tpu.memory_space<vmem>>[vector<16xi32>], vector<16xf32>,
        %get3A = arith.index_cast %scan3A_312 : i32 to index
        %get3A_315 = arith.constant 0 : index
        %get3A_316 = tpu.vector_load %arg22[%get3A, %get3A_315] {strides = array<i32>} : memref<80x128xf32, #tpu.memory_space<vmem>>, vector<16xf32>,
        %mul3A_317 = arith.mulf %get3A_316, %gather3A : vector<16xf32>
        %swap3A = arith.index_cast %scan3A_312 : i32 to index
        %swap3A_318 = arith.constant 0 : index
        %swap3A_319 = tpu.vector_load %arg22[%swap3A, %swap3A_318] {strides = array<i32>} : memref<80x128xf32, #tpu.memory_space<vmem>>, vector<16xf32>,
        tpu.vector_store %arg22[%swap3A, %swap3A_318], %mul3A_317 {strides = array<i32>} : memref<80x128xf32, #tpu.memory_space<vmem>>, vector<16xf32>,
        %get3A_320 = arith.index_cast %scan3A_312 : i32 to index
        %get3A_321 = arith.constant 16 : index
        %get3A_322 = tpu.vector_load %arg22[%get3A_320, %get3A_321] {strides = array<i32>} : memref<80x128xf32, #tpu.memory_space<vmem>>, vector<16xf32>,
        %mul3A_323 = arith.mulf %get3A_322, %gather3A : vector<16xf32>
        %swap3A_324 = arith.index_cast %scan3A_312 : i32 to index
        %swap3A_325 = arith.constant 16 : index
        %swap3A_326 = tpu.vector_load %arg22[%swap3A_324, %swap3A_325] {strides = array<i32>} : memref<80x128xf32, #tpu.memory_space<vmem>>, vector<16xf32>,
        tpu.vector_store %arg22[%swap3A_324, %swap3A_325], %mul3A_323 {strides = array<i32>} : memref<80x128xf32, #tpu.memory_space<vmem>>, vector<16xf32>,
        %get3A_327 = arith.index_cast %scan3A_312 : i32 to index
        %get3A_328 = arith.constant 32 : index
        %get3A_329 = tpu.vector_load %arg22[%get3A_327, %get3A_328] {strides = array<i32>} : memref<80x128xf32, #tpu.memory_space<vmem>>, vector<16xf32>,
        %mul3A_330 = arith.mulf %get3A_329, %gather3A : vector<16xf32>
        %swap3A_331 = arith.index_cast %scan3A_312 : i32 to index
        %swap3A_332 = arith.constant 32 : index
        %swap3A_333 = tpu.vector_load %arg22[%swap3A_331, %swap3A_332] {strides = array<i32>} : memref<80x128xf32, #tpu.memory_space<vmem>>, vector<16xf32>,
        tpu.vector_store %arg22[%swap3A_331, %swap3A_332], %mul3A_330 {strides = array<i32>} : memref<80x128xf32, #tpu.memory_space<vmem>>, vector<16xf32>,
        %get3A_334 = arith.index_cast %scan3A_312 : i32 to index
        %get3A_335 = arith.constant 48 : index
        %get3A_336 = tpu.vector_load %arg22[%get3A_334, %get3A_335] {strides = array<i32>} : memref<80x128xf32, #tpu.memory_space<vmem>>, vector<16xf32>,
        %mul3A_337 = arith.mulf %get3A_336, %gather3A : vector<16xf32>
        %swap3A_338 = arith.index_cast %scan3A_312 : i32 to index
        %swap3A_339 = arith.constant 48 : index
        %swap3A_340 = tpu.vector_load %arg22[%swap3A_338, %swap3A_339] {strides = array<i32>} : memref<80x128xf32, #tpu.memory_space<vmem>>, vector<16xf32>,
        tpu.vector_store %arg22[%swap3A_338, %swap3A_339], %mul3A_337 {strides = array<i32>} : memref<80x128xf32, #tpu.memory_space<vmem>>, vector<16xf32>,
        %get3A_341 = arith.index_cast %scan3A_312 : i32 to index
        %get3A_342 = arith.constant 64 : index
        %get3A_343 = tpu.vector_load %arg22[%get3A_341, %get3A_342] {strides = array<i32>} : memref<80x128xf32, #tpu.memory_space<vmem>>, vector<16xf32>,
        %mul3A_344 = arith.mulf %get3A_343, %gather3A : vector<16xf32>
        %swap3A_345 = arith.index_cast %scan3A_312 : i32 to index
        %swap3A_346 = arith.constant 64 : index
        %swap3A_347 = tpu.vector_load %arg22[%swap3A_345, %swap3A_346] {strides = array<i32>} : memref<80x128xf32, #tpu.memory_space<vmem>>, vector<16xf32>,
        tpu.vector_store %arg22[%swap3A_345, %swap3A_346], %mul3A_344 {strides = array<i32>} : memref<80x128xf32, #tpu.memory_space<vmem>>, vector<16xf32>,
        %get3A_348 = arith.index_cast %scan3A_312 : i32 to index
        %get3A_349 = arith.constant 80 : index
        %get3A_350 = tpu.vector_load %arg22[%get3A_348, %get3A_349] {strides = array<i32>} : memref<80x128xf32, #tpu.memory_space<vmem>>, vector<16xf32>,
        %mul3A_351 = arith.mulf %get3A_350, %gather3A : vector<16xf32>
        %swap3A_352 = arith.index_cast %scan3A_312 : i32 to index
        %swap3A_353 = arith.constant 80 : index
        %swap3A_354 = tpu.vector_load %arg22[%swap3A_352, %swap3A_353] {strides = array<i32>} : memref<80x128xf32, #tpu.memory_space<vmem>>, vector<16xf32>,
        tpu.vector_store %arg22[%swap3A_352, %swap3A_353], %mul3A_351 {strides = array<i32>} : memref<80x128xf32, #tpu.memory_space<vmem>>, vector<16xf32>,
        %get3A_355 = arith.index_cast %scan3A_312 : i32 to index
        %get3A_356 = arith.constant 96 : index
        %get3A_357 = tpu.vector_load %arg22[%get3A_355, %get3A_356] {strides = array<i32>} : memref<80x128xf32, #tpu.memory_space<vmem>>, vector<16xf32>,
        %mul3A_358 = arith.mulf %get3A_357, %gather3A : vector<16xf32>
        %swap3A_359 = arith.index_cast %scan3A_312 : i32 to index
        %swap3A_360 = arith.constant 96 : index
        %swap3A_361 = tpu.vector_load %arg22[%swap3A_359, %swap3A_360] {strides = array<i32>} : memref<80x128xf32, #tpu.memory_space<vmem>>, vector<16xf32>,
        tpu.vector_store %arg22[%swap3A_359, %swap3A_360], %mul3A_358 {strides = array<i32>} : memref<80x128xf32, #tpu.memory_space<vmem>>, vector<16xf32>,
        %get3A_362 = arith.index_cast %scan3A_312 : i32 to index
        %get3A_363 = arith.constant 112 : index
        %get3A_364 = tpu.vector_load %arg22[%get3A_362, %get3A_363] {strides = array<i32>} : memref<80x128xf32, #tpu.memory_space<vmem>>, vector<16xf32>,
        %mul3A_365 = arith.mulf %get3A_364, %gather3A : vector<16xf32>
        %swap3A_366 = arith.index_cast %scan3A_312 : i32 to index
        %swap3A_367 = arith.constant 112 : index
        %swap3A_368 = tpu.vector_load %arg22[%swap3A_366, %swap3A_367] {strides = array<i32>} : memref<80x128xf32, #tpu.memory_space<vmem>>, vector<16xf32>,
        tpu.vector_store %arg22[%swap3A_366, %swap3A_367], %mul3A_365 {strides = array<i32>} : memref<80x128xf32, #tpu.memory_space<vmem>>, vector<16xf32>,
        %scan3A_369 = arith.constant 0 : i32
        scf.yield %scan3A_369 : i32
      }
      %scan3A_256 = arith.constant 80 : i32
      %dma_start3A_257 = arith.constant 0 : i32
      %dma_start3A_258 = arith.constant 0 : i32
      %dma_start3A_259 = tpu.memref_slice %arg25[%dma_start3A_257, %dma_start3A_258] : memref<10240x128xf32, #tpu.memory_space<vmem_shared>> -> memref<10240x128xf32, #tpu.memory_space<vmem_shared>>
      tpu.enqueue_indirect_dma source(%arg22 : memref<80x128xf32, #tpu.memory_space<vmem>>) target(%dma_start3A_259 : memref<10240x128xf32, #tpu.memory_space<vmem_shared>>) offsets(%arg14 : memref<80xi32, #tpu.memory_space<vmem>>) semaphore(%arg37 : memref<!tpu.dma_semaphore, #tpu.memory_space<semaphore_mem>>) {add = true}
      %dma_start3A_260 = arith.constant 0 : i32
      %dma_start3A_261 = tpu.memref_slice %arg24[%dma_start3A_260] : memref<80xf32, #tpu.memory_space<vmem>> -> memref<80xf32, #tpu.memory_space<vmem>>
      %dma_start3A_262 = arith.constant 0 : i32
      %dma_start3A_263 = tpu.memref_slice %arg26[%dma_start3A_262] : memref<10240xf32, #tpu.memory_space<vmem_shared>> -> memref<10240xf32, #tpu.memory_space<vmem_shared>>
      tpu.enqueue_indirect_dma source(%dma_start3A_261 : memref<80xf32, #tpu.memory_space<vmem>>) target(%dma_start3A_263 : memref<10240xf32, #tpu.memory_space<vmem_shared>>) offsets(%arg14 : memref<80xi32, #tpu.memory_space<vmem>>) semaphore(%arg37 : memref<!tpu.dma_semaphore, #tpu.memory_space<semaphore_mem>>) {add = true}
      %mul3A_264 = arith.constant 4 : i32
      %mul3A_265 = arith.muli %mul3A_264, %scan3A_125 : i32
      %add3A_266 = arith.constant 3 : i32
      %add3A_267 = arith.addi %mul3A_265, %add3A_266 : i32
      %add3A_268 = arith.constant 1 : i32
      %add3A_269 = arith.addi %add3A_267, %add3A_268 : i32
      %lt3A_270 = arith.constant 125 : i32
      %lt3A_271 = arith.cmpi slt, %add3A_269, %lt3A_270 : i32
      %convert_element_type3A_272 = arith.extui %lt3A_271 : i1 to i32
      %cond3A_273 = arith.constant 0 : i32
      %cond3A_274 = arith.cmpi ne, %convert_element_type3A_272, %cond3A_273 : i32
      scf.if %cond3A_274 {
        %add3A_312 = arith.constant 1 : i32
        %add3A_313 = arith.addi %add3A_267, %add3A_312 : i32
        %mul3A_314 = arith.constant 80 : i32
        %mul3A_315 = arith.muli %add3A_313, %mul3A_314 : i32
        %add3A_316 = arith.addi %mul3A_2, %mul3A_315 : i32
        %dma_wait3A_317 = tpu.memref_slice %arg3[%add3A_316] : memref<320000xi32, #tpu.memory_space<hbm>> -> memref<80xi32, #tpu.memory_space<hbm>>
        %dma_wait3A_318 = tpu.memref_slice %arg3[%add3A_316] : memref<320000xi32, #tpu.memory_space<hbm>> -> memref<80xi32, #tpu.memory_space<hbm>>
        tpu.wait_dma2 semaphore(%arg27 : memref<!tpu.dma_semaphore, #tpu.memory_space<semaphore_mem>>) src(%dma_wait3A_318 : memref<80xi32, #tpu.memory_space<hbm>>) dst(%arg8 : memref<80xi32, #tpu.memory_space<vmem>>)
        %dma_wait3A_319 = arith.constant 0 : i32
        %dma_wait3A_320 = tpu.memref_slice %arg4[%add3A, %add3A_313, %dma_wait3A_319] : memref<32x125x80xi32, #tpu.memory_space<hbm>> -> memref<1x1x80xi32, #tpu.memory_space<hbm>>
        %dma_wait3A_321 = tpu.memref_squeeze %dma_wait3A_320 : memref<1x1x80xi32, #tpu.memory_space<hbm>> -> memref<80xi32, #tpu.memory_space<hbm>>
        %dma_wait3A_322 = arith.constant 0 : i32
        %dma_wait3A_323 = tpu.memref_slice %arg4[%add3A, %add3A_313, %dma_wait3A_322] : memref<32x125x80xi32, #tpu.memory_space<hbm>> -> memref<1x1x80xi32, #tpu.memory_space<hbm>>
        %dma_wait3A_324 = tpu.memref_squeeze %dma_wait3A_323 : memref<1x1x80xi32, #tpu.memory_space<hbm>> -> memref<80xi32, #tpu.memory_space<hbm>>
        tpu.wait_dma2 semaphore(%arg27 : memref<!tpu.dma_semaphore, #tpu.memory_space<semaphore_mem>>) src(%dma_wait3A_324 : memref<80xi32, #tpu.memory_space<hbm>>) dst(%arg12 : memref<80xi32, #tpu.memory_space<vmem>>)
        %dma_wait3A_325 = tpu.memref_slice %arg5[%add3A_316] : memref<320000xf32, #tpu.memory_space<hbm>> -> memref<80xf32, #tpu.memory_space<hbm>>
        %dma_wait3A_326 = tpu.memref_slice %arg5[%add3A_316] : memref<320000xf32, #tpu.memory_space<hbm>> -> memref<80xf32, #tpu.memory_space<hbm>>
        tpu.wait_dma2 semaphore(%arg27 : memref<!tpu.dma_semaphore, #tpu.memory_space<semaphore_mem>>) src(%dma_wait3A_326 : memref<80xf32, #tpu.memory_space<hbm>>) dst(%arg16 : memref<80xf32, #tpu.memory_space<vmem>>)
      } else {
      }
      %ge3A_275 = arith.constant 2 : i32
      %ge3A_276 = arith.cmpi sge, %add3A_267, %ge3A_275 : i32
      %convert_element_type3A_277 = arith.extui %ge3A_276 : i1 to i32
      %cond3A_278 = arith.constant 0 : i32
      %cond3A_279 = arith.cmpi ne, %convert_element_type3A_277, %cond3A_278 : i32
      scf.if %cond3A_279 {
        %dma_wait3A_312 = arith.constant 0 : i32
        %dma_wait3A_313 = arith.constant 0 : i32
        %dma_wait3A_314 = tpu.memref_slice %arg25[%dma_wait3A_312, %dma_wait3A_313] : memref<10240x128xf32, #tpu.memory_space<vmem_shared>> -> memref<10240x128xf32, #tpu.memory_space<vmem_shared>>
        tpu.wait_indirect_dma semaphore(%arg36 : memref<!tpu.dma_semaphore, #tpu.memory_space<semaphore_mem>>) src(%arg21 : memref<80x128xf32, #tpu.memory_space<vmem>>) dst(%dma_wait3A_314 : memref<10240x128xf32, #tpu.memory_space<vmem_shared>>)
        %dma_wait3A_315 = arith.constant 0 : i32
        %dma_wait3A_316 = tpu.memref_slice %arg24[%dma_wait3A_315] : memref<80xf32, #tpu.memory_space<vmem>> -> memref<80xf32, #tpu.memory_space<vmem>>
        %dma_wait3A_317 = arith.constant 0 : i32
        %dma_wait3A_318 = tpu.memref_slice %arg26[%dma_wait3A_317] : memref<10240xf32, #tpu.memory_space<vmem_shared>> -> memref<10240xf32, #tpu.memory_space<vmem_shared>>
        tpu.wait_indirect_dma semaphore(%arg36 : memref<!tpu.dma_semaphore, #tpu.memory_space<semaphore_mem>>) src(%dma_wait3A_316 : memref<80xf32, #tpu.memory_space<vmem>>) dst(%dma_wait3A_318 : memref<10240xf32, #tpu.memory_space<vmem_shared>>)
      } else {
      }
      %add3A_280 = arith.constant 2 : i32
      %add3A_281 = arith.addi %add3A_267, %add3A_280 : i32
      %lt3A_282 = arith.constant 125 : i32
      %lt3A_283 = arith.cmpi slt, %add3A_281, %lt3A_282 : i32
      %convert_element_type3A_284 = arith.extui %lt3A_283 : i1 to i32
      %cond3A_285 = arith.constant 0 : i32
      %cond3A_286 = arith.cmpi ne, %convert_element_type3A_284, %cond3A_285 : i32
      scf.if %cond3A_286 {
        %add3A_312 = arith.constant 2 : i32
        %add3A_313 = arith.addi %add3A_267, %add3A_312 : i32
        %mul3A_314 = arith.constant 80 : i32
        %mul3A_315 = arith.muli %add3A_313, %mul3A_314 : i32
        %add3A_316 = arith.addi %mul3A_2, %mul3A_315 : i32
        %dma_start3A_317 = tpu.memref_slice %arg3[%add3A_316] : memref<320000xi32, #tpu.memory_space<hbm>> -> memref<80xi32, #tpu.memory_space<hbm>>
        %dma_start3A_318 = tpu.memref_slice %arg3[%add3A_316] : memref<320000xi32, #tpu.memory_space<hbm>> -> memref<80xi32, #tpu.memory_space<hbm>>
        tpu.enqueue_dma source(%dma_start3A_318 : memref<80xi32, #tpu.memory_space<hbm>>) target(%arg9 : memref<80xi32, #tpu.memory_space<vmem>>) target_semaphore(%arg28 : memref<!tpu.dma_semaphore, #tpu.memory_space<semaphore_mem>>)
        %dma_start3A_319 = arith.constant 0 : i32
        %dma_start3A_320 = tpu.memref_slice %arg4[%add3A, %add3A_313, %dma_start3A_319] : memref<32x125x80xi32, #tpu.memory_space<hbm>> -> memref<1x1x80xi32, #tpu.memory_space<hbm>>
        %dma_start3A_321 = tpu.memref_squeeze %dma_start3A_320 : memref<1x1x80xi32, #tpu.memory_space<hbm>> -> memref<80xi32, #tpu.memory_space<hbm>>
        %dma_start3A_322 = arith.constant 0 : i32
        %dma_start3A_323 = tpu.memref_slice %arg4[%add3A, %add3A_313, %dma_start3A_322] : memref<32x125x80xi32, #tpu.memory_space<hbm>> -> memref<1x1x80xi32, #tpu.memory_space<hbm>>
        %dma_start3A_324 = tpu.memref_squeeze %dma_start3A_323 : memref<1x1x80xi32, #tpu.memory_space<hbm>> -> memref<80xi32, #tpu.memory_space<hbm>>
        tpu.enqueue_dma source(%dma_start3A_324 : memref<80xi32, #tpu.memory_space<hbm>>) target(%arg13 : memref<80xi32, #tpu.memory_space<vmem>>) target_semaphore(%arg28 : memref<!tpu.dma_semaphore, #tpu.memory_space<semaphore_mem>>)
        %dma_start3A_325 = tpu.memref_slice %arg5[%add3A_316] : memref<320000xf32, #tpu.memory_space<hbm>> -> memref<80xf32, #tpu.memory_space<hbm>>
        %dma_start3A_326 = tpu.memref_slice %arg5[%add3A_316] : memref<320000xf32, #tpu.memory_space<hbm>> -> memref<80xf32, #tpu.memory_space<hbm>>
        tpu.enqueue_dma source(%dma_start3A_326 : memref<80xf32, #tpu.memory_space<hbm>>) target(%arg17 : memref<80xf32, #tpu.memory_space<vmem>>) target_semaphore(%arg28 : memref<!tpu.dma_semaphore, #tpu.memory_space<semaphore_mem>>)
      } else {
      }
      %add3A_287 = arith.constant 1 : i32
      %add3A_288 = arith.addi %add3A_267, %add3A_287 : i32
      %lt3A_289 = arith.constant 125 : i32
      %lt3A_290 = arith.cmpi slt, %add3A_288, %lt3A_289 : i32
      %convert_element_type3A_291 = arith.extui %lt3A_290 : i1 to i32
      %cond3A_292 = arith.constant 0 : i32
      %cond3A_293 = arith.cmpi ne, %convert_element_type3A_291, %cond3A_292 : i32
      scf.if %cond3A_293 {
        %dma_start3A_312 = arith.constant 0 : i32
        %dma_start3A_313 = arith.constant 0 : i32
        %dma_start3A_314 = tpu.memref_slice %arg2[%dma_start3A_312, %dma_start3A_313] : memref<10000x128xf32, #tpu.memory_space<hbm>> -> memref<10000x128xf32, #tpu.memory_space<hbm>>
        tpu.enqueue_indirect_dma source(%dma_start3A_314 : memref<10000x128xf32, #tpu.memory_space<hbm>>) target(%arg20 : memref<80x128xf32, #tpu.memory_space<vmem>>) offsets(%arg8 : memref<80xi32, #tpu.memory_space<vmem>>) semaphore(%arg31 : memref<!tpu.dma_semaphore, #tpu.memory_space<semaphore_mem>>)
      } else {
      }
      %dma_wait3A_294 = arith.constant 0 : i32
      %dma_wait3A_295 = arith.constant 0 : i32
      %dma_wait3A_296 = tpu.memref_slice %arg2[%dma_wait3A_294, %dma_wait3A_295] : memref<10000x128xf32, #tpu.memory_space<hbm>> -> memref<10000x128xf32, #tpu.memory_space<hbm>>
      tpu.wait_indirect_dma semaphore(%arg34 : memref<!tpu.dma_semaphore, #tpu.memory_space<semaphore_mem>>) src(%dma_wait3A_296 : memref<10000x128xf32, #tpu.memory_space<hbm>>) dst(%arg23 : memref<80x128xf32, #tpu.memory_space<vmem>>)
      %scan3A_297 = arith.constant 0 : i32
      %scan3A_298 = arith.constant 0 : i32
      %scan3A_299 = arith.constant 80 : i32
      %scan3A_300 = arith.addi %scan3A_298, %scan3A_299 : i32
      %scan3A_301 = arith.constant 1 : i32
      %scan3A_302 = scf.for %scan3A_312 = %scan3A_298 to %scan3A_300 step %scan3A_301 iter_args(%scan3A_313 = %scan3A_297) -> (i32)  : i32 {
        %broadcast_in_dim3A_314 = vector.broadcast %scan3A_312 : i32 to vector<16xi32>
        %gather3A = tpu.vector_load_idx %arg19[%broadcast_in_dim3A_314] : memref<80xf32, #tpu.memory_space<vmem>>[vector<16xi32>], vector<16xf32>,
        %get3A = arith.index_cast %scan3A_312 : i32 to index
        %get3A_315 = arith.constant 0 : index
        %get3A_316 = tpu.vector_load %arg23[%get3A, %get3A_315] {strides = array<i32>} : memref<80x128xf32, #tpu.memory_space<vmem>>, vector<16xf32>,
        %mul3A_317 = arith.mulf %get3A_316, %gather3A : vector<16xf32>
        %swap3A = arith.index_cast %scan3A_312 : i32 to index
        %swap3A_318 = arith.constant 0 : index
        %swap3A_319 = tpu.vector_load %arg23[%swap3A, %swap3A_318] {strides = array<i32>} : memref<80x128xf32, #tpu.memory_space<vmem>>, vector<16xf32>,
        tpu.vector_store %arg23[%swap3A, %swap3A_318], %mul3A_317 {strides = array<i32>} : memref<80x128xf32, #tpu.memory_space<vmem>>, vector<16xf32>,
        %get3A_320 = arith.index_cast %scan3A_312 : i32 to index
        %get3A_321 = arith.constant 16 : index
        %get3A_322 = tpu.vector_load %arg23[%get3A_320, %get3A_321] {strides = array<i32>} : memref<80x128xf32, #tpu.memory_space<vmem>>, vector<16xf32>,
        %mul3A_323 = arith.mulf %get3A_322, %gather3A : vector<16xf32>
        %swap3A_324 = arith.index_cast %scan3A_312 : i32 to index
        %swap3A_325 = arith.constant 16 : index
        %swap3A_326 = tpu.vector_load %arg23[%swap3A_324, %swap3A_325] {strides = array<i32>} : memref<80x128xf32, #tpu.memory_space<vmem>>, vector<16xf32>,
        tpu.vector_store %arg23[%swap3A_324, %swap3A_325], %mul3A_323 {strides = array<i32>} : memref<80x128xf32, #tpu.memory_space<vmem>>, vector<16xf32>,
        %get3A_327 = arith.index_cast %scan3A_312 : i32 to index
        %get3A_328 = arith.constant 32 : index
        %get3A_329 = tpu.vector_load %arg23[%get3A_327, %get3A_328] {strides = array<i32>} : memref<80x128xf32, #tpu.memory_space<vmem>>, vector<16xf32>,
        %mul3A_330 = arith.mulf %get3A_329, %gather3A : vector<16xf32>
        %swap3A_331 = arith.index_cast %scan3A_312 : i32 to index
        %swap3A_332 = arith.constant 32 : index
        %swap3A_333 = tpu.vector_load %arg23[%swap3A_331, %swap3A_332] {strides = array<i32>} : memref<80x128xf32, #tpu.memory_space<vmem>>, vector<16xf32>,
        tpu.vector_store %arg23[%swap3A_331, %swap3A_332], %mul3A_330 {strides = array<i32>} : memref<80x128xf32, #tpu.memory_space<vmem>>, vector<16xf32>,
        %get3A_334 = arith.index_cast %scan3A_312 : i32 to index
        %get3A_335 = arith.constant 48 : index
        %get3A_336 = tpu.vector_load %arg23[%get3A_334, %get3A_335] {strides = array<i32>} : memref<80x128xf32, #tpu.memory_space<vmem>>, vector<16xf32>,
        %mul3A_337 = arith.mulf %get3A_336, %gather3A : vector<16xf32>
        %swap3A_338 = arith.index_cast %scan3A_312 : i32 to index
        %swap3A_339 = arith.constant 48 : index
        %swap3A_340 = tpu.vector_load %arg23[%swap3A_338, %swap3A_339] {strides = array<i32>} : memref<80x128xf32, #tpu.memory_space<vmem>>, vector<16xf32>,
        tpu.vector_store %arg23[%swap3A_338, %swap3A_339], %mul3A_337 {strides = array<i32>} : memref<80x128xf32, #tpu.memory_space<vmem>>, vector<16xf32>,
        %get3A_341 = arith.index_cast %scan3A_312 : i32 to index
        %get3A_342 = arith.constant 64 : index
        %get3A_343 = tpu.vector_load %arg23[%get3A_341, %get3A_342] {strides = array<i32>} : memref<80x128xf32, #tpu.memory_space<vmem>>, vector<16xf32>,
        %mul3A_344 = arith.mulf %get3A_343, %gather3A : vector<16xf32>
        %swap3A_345 = arith.index_cast %scan3A_312 : i32 to index
        %swap3A_346 = arith.constant 64 : index
        %swap3A_347 = tpu.vector_load %arg23[%swap3A_345, %swap3A_346] {strides = array<i32>} : memref<80x128xf32, #tpu.memory_space<vmem>>, vector<16xf32>,
        tpu.vector_store %arg23[%swap3A_345, %swap3A_346], %mul3A_344 {strides = array<i32>} : memref<80x128xf32, #tpu.memory_space<vmem>>, vector<16xf32>,
        %get3A_348 = arith.index_cast %scan3A_312 : i32 to index
        %get3A_349 = arith.constant 80 : index
        %get3A_350 = tpu.vector_load %arg23[%get3A_348, %get3A_349] {strides = array<i32>} : memref<80x128xf32, #tpu.memory_space<vmem>>, vector<16xf32>,
        %mul3A_351 = arith.mulf %get3A_350, %gather3A : vector<16xf32>
        %swap3A_352 = arith.index_cast %scan3A_312 : i32 to index
        %swap3A_353 = arith.constant 80 : index
        %swap3A_354 = tpu.vector_load %arg23[%swap3A_352, %swap3A_353] {strides = array<i32>} : memref<80x128xf32, #tpu.memory_space<vmem>>, vector<16xf32>,
        tpu.vector_store %arg23[%swap3A_352, %swap3A_353], %mul3A_351 {strides = array<i32>} : memref<80x128xf32, #tpu.memory_space<vmem>>, vector<16xf32>,
        %get3A_355 = arith.index_cast %scan3A_312 : i32 to index
        %get3A_356 = arith.constant 96 : index
        %get3A_357 = tpu.vector_load %arg23[%get3A_355, %get3A_356] {strides = array<i32>} : memref<80x128xf32, #tpu.memory_space<vmem>>, vector<16xf32>,
        %mul3A_358 = arith.mulf %get3A_357, %gather3A : vector<16xf32>
        %swap3A_359 = arith.index_cast %scan3A_312 : i32 to index
        %swap3A_360 = arith.constant 96 : index
        %swap3A_361 = tpu.vector_load %arg23[%swap3A_359, %swap3A_360] {strides = array<i32>} : memref<80x128xf32, #tpu.memory_space<vmem>>, vector<16xf32>,
        tpu.vector_store %arg23[%swap3A_359, %swap3A_360], %mul3A_358 {strides = array<i32>} : memref<80x128xf32, #tpu.memory_space<vmem>>, vector<16xf32>,
        %get3A_362 = arith.index_cast %scan3A_312 : i32 to index
        %get3A_363 = arith.constant 112 : index
        %get3A_364 = tpu.vector_load %arg23[%get3A_362, %get3A_363] {strides = array<i32>} : memref<80x128xf32, #tpu.memory_space<vmem>>, vector<16xf32>,
        %mul3A_365 = arith.mulf %get3A_364, %gather3A : vector<16xf32>
        %swap3A_366 = arith.index_cast %scan3A_312 : i32 to index
        %swap3A_367 = arith.constant 112 : index
        %swap3A_368 = tpu.vector_load %arg23[%swap3A_366, %swap3A_367] {strides = array<i32>} : memref<80x128xf32, #tpu.memory_space<vmem>>, vector<16xf32>,
        tpu.vector_store %arg23[%swap3A_366, %swap3A_367], %mul3A_365 {strides = array<i32>} : memref<80x128xf32, #tpu.memory_space<vmem>>, vector<16xf32>,
        %scan3A_369 = arith.constant 0 : i32
        scf.yield %scan3A_369 : i32
      }
      %scan3A_303 = arith.constant 80 : i32
      %dma_start3A_304 = arith.constant 0 : i32
      %dma_start3A_305 = arith.constant 0 : i32
      %dma_start3A_306 = tpu.memref_slice %arg25[%dma_start3A_304, %dma_start3A_305] : memref<10240x128xf32, #tpu.memory_space<vmem_shared>> -> memref<10240x128xf32, #tpu.memory_space<vmem_shared>>
      tpu.enqueue_indirect_dma source(%arg23 : memref<80x128xf32, #tpu.memory_space<vmem>>) target(%dma_start3A_306 : memref<10240x128xf32, #tpu.memory_space<vmem_shared>>) offsets(%arg15 : memref<80xi32, #tpu.memory_space<vmem>>) semaphore(%arg38 : memref<!tpu.dma_semaphore, #tpu.memory_space<semaphore_mem>>) {add = true}
      %dma_start3A_307 = arith.constant 0 : i32
      %dma_start3A_308 = tpu.memref_slice %arg24[%dma_start3A_307] : memref<80xf32, #tpu.memory_space<vmem>> -> memref<80xf32, #tpu.memory_space<vmem>>
      %dma_start3A_309 = arith.constant 0 : i32
      %dma_start3A_310 = tpu.memref_slice %arg26[%dma_start3A_309] : memref<10240xf32, #tpu.memory_space<vmem_shared>> -> memref<10240xf32, #tpu.memory_space<vmem_shared>>
      tpu.enqueue_indirect_dma source(%dma_start3A_308 : memref<80xf32, #tpu.memory_space<vmem>>) target(%dma_start3A_310 : memref<10240xf32, #tpu.memory_space<vmem_shared>>) offsets(%arg15 : memref<80xi32, #tpu.memory_space<vmem>>) semaphore(%arg38 : memref<!tpu.dma_semaphore, #tpu.memory_space<semaphore_mem>>) {add = true}
      %scan3A_311 = arith.constant 0 : i32
      scf.yield %scan3A_311 : i32
    }
    %scan3A_79 = arith.constant 31 : i32
    %dma_wait3A_80 = arith.constant 0 : i32
    %dma_wait3A_81 = arith.constant 0 : i32
    %dma_wait3A_82 = tpu.memref_slice %arg25[%dma_wait3A_80, %dma_wait3A_81] : memref<10240x128xf32, #tpu.memory_space<vmem_shared>> -> memref<10240x128xf32, #tpu.memory_space<vmem_shared>>
    tpu.wait_indirect_dma semaphore(%arg37 : memref<!tpu.dma_semaphore, #tpu.memory_space<semaphore_mem>>) src(%arg22 : memref<80x128xf32, #tpu.memory_space<vmem>>) dst(%dma_wait3A_82 : memref<10240x128xf32, #tpu.memory_space<vmem_shared>>)
    %dma_wait3A_83 = arith.constant 0 : i32
    %dma_wait3A_84 = tpu.memref_slice %arg24[%dma_wait3A_83] : memref<80xf32, #tpu.memory_space<vmem>> -> memref<80xf32, #tpu.memory_space<vmem>>
    %dma_wait3A_85 = arith.constant 0 : i32
    %dma_wait3A_86 = tpu.memref_slice %arg26[%dma_wait3A_85] : memref<10240xf32, #tpu.memory_space<vmem_shared>> -> memref<10240xf32, #tpu.memory_space<vmem_shared>>
    tpu.wait_indirect_dma semaphore(%arg37 : memref<!tpu.dma_semaphore, #tpu.memory_space<semaphore_mem>>) src(%dma_wait3A_84 : memref<80xf32, #tpu.memory_space<vmem>>) dst(%dma_wait3A_86 : memref<10240xf32, #tpu.memory_space<vmem_shared>>)
    %dma_wait3A_87 = arith.constant 0 : i32
    %dma_wait3A_88 = arith.constant 0 : i32
    %dma_wait3A_89 = tpu.memref_slice %arg2[%dma_wait3A_87, %dma_wait3A_88] : memref<10000x128xf32, #tpu.memory_space<hbm>> -> memref<10000x128xf32, #tpu.memory_space<hbm>>
    tpu.wait_indirect_dma semaphore(%arg31 : memref<!tpu.dma_semaphore, #tpu.memory_space<semaphore_mem>>) src(%dma_wait3A_89 : memref<10000x128xf32, #tpu.memory_space<hbm>>) dst(%arg20 : memref<80x128xf32, #tpu.memory_space<vmem>>)
    %scan3A_90 = arith.constant 0 : i32
    %scan3A_91 = arith.constant 0 : i32
    %scan3A_92 = arith.constant 80 : i32
    %scan3A_93 = arith.addi %scan3A_91, %scan3A_92 : i32
    %scan3A_94 = arith.constant 1 : i32
    %scan3A_95 = scf.for %scan3A_125 = %scan3A_91 to %scan3A_93 step %scan3A_94 iter_args(%scan3A_126 = %scan3A_90) -> (i32)  : i32 {
      %broadcast_in_dim3A_127 = vector.broadcast %scan3A_125 : i32 to vector<16xi32>
      %gather3A = tpu.vector_load_idx %arg16[%broadcast_in_dim3A_127] : memref<80xf32, #tpu.memory_space<vmem>>[vector<16xi32>], vector<16xf32>,
      %get3A = arith.index_cast %scan3A_125 : i32 to index
      %get3A_128 = arith.constant 0 : index
      %get3A_129 = tpu.vector_load %arg20[%get3A, %get3A_128] {strides = array<i32>} : memref<80x128xf32, #tpu.memory_space<vmem>>, vector<16xf32>,
      %mul3A_130 = arith.mulf %get3A_129, %gather3A : vector<16xf32>
      %swap3A = arith.index_cast %scan3A_125 : i32 to index
      %swap3A_131 = arith.constant 0 : index
      %swap3A_132 = tpu.vector_load %arg20[%swap3A, %swap3A_131] {strides = array<i32>} : memref<80x128xf32, #tpu.memory_space<vmem>>, vector<16xf32>,
      tpu.vector_store %arg20[%swap3A, %swap3A_131], %mul3A_130 {strides = array<i32>} : memref<80x128xf32, #tpu.memory_space<vmem>>, vector<16xf32>,
      %get3A_133 = arith.index_cast %scan3A_125 : i32 to index
      %get3A_134 = arith.constant 16 : index
      %get3A_135 = tpu.vector_load %arg20[%get3A_133, %get3A_134] {strides = array<i32>} : memref<80x128xf32, #tpu.memory_space<vmem>>, vector<16xf32>,
      %mul3A_136 = arith.mulf %get3A_135, %gather3A : vector<16xf32>
      %swap3A_137 = arith.index_cast %scan3A_125 : i32 to index
      %swap3A_138 = arith.constant 16 : index
      %swap3A_139 = tpu.vector_load %arg20[%swap3A_137, %swap3A_138] {strides = array<i32>} : memref<80x128xf32, #tpu.memory_space<vmem>>, vector<16xf32>,
      tpu.vector_store %arg20[%swap3A_137, %swap3A_138], %mul3A_136 {strides = array<i32>} : memref<80x128xf32, #tpu.memory_space<vmem>>, vector<16xf32>,
      %get3A_140 = arith.index_cast %scan3A_125 : i32 to index
      %get3A_141 = arith.constant 32 : index
      %get3A_142 = tpu.vector_load %arg20[%get3A_140, %get3A_141] {strides = array<i32>} : memref<80x128xf32, #tpu.memory_space<vmem>>, vector<16xf32>,
      %mul3A_143 = arith.mulf %get3A_142, %gather3A : vector<16xf32>
      %swap3A_144 = arith.index_cast %scan3A_125 : i32 to index
      %swap3A_145 = arith.constant 32 : index
      %swap3A_146 = tpu.vector_load %arg20[%swap3A_144, %swap3A_145] {strides = array<i32>} : memref<80x128xf32, #tpu.memory_space<vmem>>, vector<16xf32>,
      tpu.vector_store %arg20[%swap3A_144, %swap3A_145], %mul3A_143 {strides = array<i32>} : memref<80x128xf32, #tpu.memory_space<vmem>>, vector<16xf32>,
      %get3A_147 = arith.index_cast %scan3A_125 : i32 to index
      %get3A_148 = arith.constant 48 : index
      %get3A_149 = tpu.vector_load %arg20[%get3A_147, %get3A_148] {strides = array<i32>} : memref<80x128xf32, #tpu.memory_space<vmem>>, vector<16xf32>,
      %mul3A_150 = arith.mulf %get3A_149, %gather3A : vector<16xf32>
      %swap3A_151 = arith.index_cast %scan3A_125 : i32 to index
      %swap3A_152 = arith.constant 48 : index
      %swap3A_153 = tpu.vector_load %arg20[%swap3A_151, %swap3A_152] {strides = array<i32>} : memref<80x128xf32, #tpu.memory_space<vmem>>, vector<16xf32>,
      tpu.vector_store %arg20[%swap3A_151, %swap3A_152], %mul3A_150 {strides = array<i32>} : memref<80x128xf32, #tpu.memory_space<vmem>>, vector<16xf32>,
      %get3A_154 = arith.index_cast %scan3A_125 : i32 to index
      %get3A_155 = arith.constant 64 : index
      %get3A_156 = tpu.vector_load %arg20[%get3A_154, %get3A_155] {strides = array<i32>} : memref<80x128xf32, #tpu.memory_space<vmem>>, vector<16xf32>,
      %mul3A_157 = arith.mulf %get3A_156, %gather3A : vector<16xf32>
      %swap3A_158 = arith.index_cast %scan3A_125 : i32 to index
      %swap3A_159 = arith.constant 64 : index
      %swap3A_160 = tpu.vector_load %arg20[%swap3A_158, %swap3A_159] {strides = array<i32>} : memref<80x128xf32, #tpu.memory_space<vmem>>, vector<16xf32>,
      tpu.vector_store %arg20[%swap3A_158, %swap3A_159], %mul3A_157 {strides = array<i32>} : memref<80x128xf32, #tpu.memory_space<vmem>>, vector<16xf32>,
      %get3A_161 = arith.index_cast %scan3A_125 : i32 to index
      %get3A_162 = arith.constant 80 : index
      %get3A_163 = tpu.vector_load %arg20[%get3A_161, %get3A_162] {strides = array<i32>} : memref<80x128xf32, #tpu.memory_space<vmem>>, vector<16xf32>,
      %mul3A_164 = arith.mulf %get3A_163, %gather3A : vector<16xf32>
      %swap3A_165 = arith.index_cast %scan3A_125 : i32 to index
      %swap3A_166 = arith.constant 80 : index
      %swap3A_167 = tpu.vector_load %arg20[%swap3A_165, %swap3A_166] {strides = array<i32>} : memref<80x128xf32, #tpu.memory_space<vmem>>, vector<16xf32>,
      tpu.vector_store %arg20[%swap3A_165, %swap3A_166], %mul3A_164 {strides = array<i32>} : memref<80x128xf32, #tpu.memory_space<vmem>>, vector<16xf32>,
      %get3A_168 = arith.index_cast %scan3A_125 : i32 to index
      %get3A_169 = arith.constant 96 : index
      %get3A_170 = tpu.vector_load %arg20[%get3A_168, %get3A_169] {strides = array<i32>} : memref<80x128xf32, #tpu.memory_space<vmem>>, vector<16xf32>,
      %mul3A_171 = arith.mulf %get3A_170, %gather3A : vector<16xf32>
      %swap3A_172 = arith.index_cast %scan3A_125 : i32 to index
      %swap3A_173 = arith.constant 96 : index
      %swap3A_174 = tpu.vector_load %arg20[%swap3A_172, %swap3A_173] {strides = array<i32>} : memref<80x128xf32, #tpu.memory_space<vmem>>, vector<16xf32>,
      tpu.vector_store %arg20[%swap3A_172, %swap3A_173], %mul3A_171 {strides = array<i32>} : memref<80x128xf32, #tpu.memory_space<vmem>>, vector<16xf32>,
      %get3A_175 = arith.index_cast %scan3A_125 : i32 to index
      %get3A_176 = arith.constant 112 : index
      %get3A_177 = tpu.vector_load %arg20[%get3A_175, %get3A_176] {strides = array<i32>} : memref<80x128xf32, #tpu.memory_space<vmem>>, vector<16xf32>,
      %mul3A_178 = arith.mulf %get3A_177, %gather3A : vector<16xf32>
      %swap3A_179 = arith.index_cast %scan3A_125 : i32 to index
      %swap3A_180 = arith.constant 112 : index
      %swap3A_181 = tpu.vector_load %arg20[%swap3A_179, %swap3A_180] {strides = array<i32>} : memref<80x128xf32, #tpu.memory_space<vmem>>, vector<16xf32>,
      tpu.vector_store %arg20[%swap3A_179, %swap3A_180], %mul3A_178 {strides = array<i32>} : memref<80x128xf32, #tpu.memory_space<vmem>>, vector<16xf32>,
      %scan3A_182 = arith.constant 0 : i32
      scf.yield %scan3A_182 : i32
    }
    %scan3A_96 = arith.constant 80 : i32
    %dma_start3A_97 = arith.constant 0 : i32
    %dma_start3A_98 = arith.constant 0 : i32
    %dma_start3A_99 = tpu.memref_slice %arg25[%dma_start3A_97, %dma_start3A_98] : memref<10240x128xf32, #tpu.memory_space<vmem_shared>> -> memref<10240x128xf32, #tpu.memory_space<vmem_shared>>
    tpu.enqueue_indirect_dma source(%arg20 : memref<80x128xf32, #tpu.memory_space<vmem>>) target(%dma_start3A_99 : memref<10240x128xf32, #tpu.memory_space<vmem_shared>>) offsets(%arg12 : memref<80xi32, #tpu.memory_space<vmem>>) semaphore(%arg35 : memref<!tpu.dma_semaphore, #tpu.memory_space<semaphore_mem>>) {add = true}
    %dma_start3A_100 = arith.constant 0 : i32
    %dma_start3A_101 = tpu.memref_slice %arg24[%dma_start3A_100] : memref<80xf32, #tpu.memory_space<vmem>> -> memref<80xf32, #tpu.memory_space<vmem>>
    %dma_start3A_102 = arith.constant 0 : i32
    %dma_start3A_103 = tpu.memref_slice %arg26[%dma_start3A_102] : memref<10240xf32, #tpu.memory_space<vmem_shared>> -> memref<10240xf32, #tpu.memory_space<vmem_shared>>
    tpu.enqueue_indirect_dma source(%dma_start3A_101 : memref<80xf32, #tpu.memory_space<vmem>>) target(%dma_start3A_103 : memref<10240xf32, #tpu.memory_space<vmem_shared>>) offsets(%arg12 : memref<80xi32, #tpu.memory_space<vmem>>) semaphore(%arg35 : memref<!tpu.dma_semaphore, #tpu.memory_space<semaphore_mem>>) {add = true}
    %dma_wait3A_104 = arith.constant 0 : i32
    %dma_wait3A_105 = arith.constant 0 : i32
    %dma_wait3A_106 = tpu.memref_slice %arg25[%dma_wait3A_104, %dma_wait3A_105] : memref<10240x128xf32, #tpu.memory_space<vmem_shared>> -> memref<10240x128xf32, #tpu.memory_space<vmem_shared>>
    tpu.wait_indirect_dma semaphore(%arg38 : memref<!tpu.dma_semaphore, #tpu.memory_space<semaphore_mem>>) src(%arg23 : memref<80x128xf32, #tpu.memory_space<vmem>>) dst(%dma_wait3A_106 : memref<10240x128xf32, #tpu.memory_space<vmem_shared>>)
    %dma_wait3A_107 = arith.constant 0 : i32
    %dma_wait3A_108 = tpu.memref_slice %arg24[%dma_wait3A_107] : memref<80xf32, #tpu.memory_space<vmem>> -> memref<80xf32, #tpu.memory_space<vmem>>
    %dma_wait3A_109 = arith.constant 0 : i32
    %dma_wait3A_110 = tpu.memref_slice %arg26[%dma_wait3A_109] : memref<10240xf32, #tpu.memory_space<vmem_shared>> -> memref<10240xf32, #tpu.memory_space<vmem_shared>>
    tpu.wait_indirect_dma semaphore(%arg38 : memref<!tpu.dma_semaphore, #tpu.memory_space<semaphore_mem>>) src(%dma_wait3A_108 : memref<80xf32, #tpu.memory_space<vmem>>) dst(%dma_wait3A_110 : memref<10240xf32, #tpu.memory_space<vmem_shared>>)
    %dma_wait3A_111 = arith.constant 0 : i32
    %dma_wait3A_112 = arith.constant 0 : i32
    %dma_wait3A_113 = tpu.memref_slice %arg25[%dma_wait3A_111, %dma_wait3A_112] : memref<10240x128xf32, #tpu.memory_space<vmem_shared>> -> memref<10240x128xf32, #tpu.memory_space<vmem_shared>>
    tpu.wait_indirect_dma semaphore(%arg35 : memref<!tpu.dma_semaphore, #tpu.memory_space<semaphore_mem>>) src(%arg20 : memref<80x128xf32, #tpu.memory_space<vmem>>) dst(%dma_wait3A_113 : memref<10240x128xf32, #tpu.memory_space<vmem_shared>>)
    %dma_wait3A_114 = arith.constant 0 : i32
    %dma_wait3A_115 = tpu.memref_slice %arg24[%dma_wait3A_114] : memref<80xf32, #tpu.memory_space<vmem>> -> memref<80xf32, #tpu.memory_space<vmem>>
    %dma_wait3A_116 = arith.constant 0 : i32
    %dma_wait3A_117 = tpu.memref_slice %arg26[%dma_wait3A_116] : memref<10240xf32, #tpu.memory_space<vmem_shared>> -> memref<10240xf32, #tpu.memory_space<vmem_shared>>
    tpu.wait_indirect_dma semaphore(%arg35 : memref<!tpu.dma_semaphore, #tpu.memory_space<semaphore_mem>>) src(%dma_wait3A_115 : memref<80xf32, #tpu.memory_space<vmem>>) dst(%dma_wait3A_117 : memref<10240xf32, #tpu.memory_space<vmem_shared>>)
    %barrier3A_118 = arith.constant 0 : index
    tpu.barrier barrier_id(%barrier3A_118)
    %mul3A_119 = arith.constant 640 : i32
    %mul3A_120 = arith.muli %arg1, %mul3A_119 : i32
    "tpu.region"() ({
      %run_scoped3A = tpu.sem_alloc : memref<!tpu.dma_semaphore, #tpu.memory_space<semaphore_mem>>
      %dma_start3A_125 = arith.constant 0 : i32
      %dma_start3A_126 = tpu.memref_slice %arg6[%arg0, %mul3A_120, %dma_start3A_125] : memref<2x10240x128xf32, #tpu.memory_space<hbm>> -> memref<1x640x128xf32, #tpu.memory_space<hbm>>
      %dma_start3A_127 = tpu.memref_squeeze %dma_start3A_126 : memref<1x640x128xf32, #tpu.memory_space<hbm>> -> memref<640x128xf32, #tpu.memory_space<hbm>>
      %dma_start3A_128 = arith.constant 0 : i32
      %dma_start3A_129 = tpu.memref_slice %arg25[%mul3A_120, %dma_start3A_128] : memref<10240x128xf32, #tpu.memory_space<vmem_shared>> -> memref<640x128xf32, #tpu.memory_space<vmem_shared>>
      tpu.enqueue_dma source(%dma_start3A_129 : memref<640x128xf32, #tpu.memory_space<vmem_shared>>) target(%dma_start3A_127 : memref<640x128xf32, #tpu.memory_space<hbm>>) target_semaphore(%run_scoped3A : memref<!tpu.dma_semaphore, #tpu.memory_space<semaphore_mem>>)
      %dma_wait3A_130 = arith.constant 0 : i32
      %dma_wait3A_131 = tpu.memref_slice %arg6[%arg0, %mul3A_120, %dma_wait3A_130] : memref<2x10240x128xf32, #tpu.memory_space<hbm>> -> memref<1x640x128xf32, #tpu.memory_space<hbm>>
      %dma_wait3A_132 = tpu.memref_squeeze %dma_wait3A_131 : memref<1x640x128xf32, #tpu.memory_space<hbm>> -> memref<640x128xf32, #tpu.memory_space<hbm>>
      %dma_wait3A_133 = arith.constant 0 : i32
      %dma_wait3A_134 = tpu.memref_slice %arg25[%mul3A_120, %dma_wait3A_133] : memref<10240x128xf32, #tpu.memory_space<vmem_shared>> -> memref<640x128xf32, #tpu.memory_space<vmem_shared>>
      tpu.wait_dma2 semaphore(%run_scoped3A : memref<!tpu.dma_semaphore, #tpu.memory_space<semaphore_mem>>) src(%dma_wait3A_134 : memref<640x128xf32, #tpu.memory_space<vmem_shared>>) dst(%dma_wait3A_132 : memref<640x128xf32, #tpu.memory_space<hbm>>)
      tpu.yield
    }) : () -> ()
    %mul3A_121 = arith.constant 640 : i32
    %mul3A_122 = arith.muli %arg1, %mul3A_121 : i32
    %mul3A_123 = arith.constant 640 : i32
    %mul3A_124 = arith.muli %arg1, %mul3A_123 : i32
    "tpu.region"() ({
      %run_scoped3A = tpu.sem_alloc : memref<!tpu.dma_semaphore, #tpu.memory_space<semaphore_mem>>
      %dma_start3A_125 = tpu.memref_slice %arg7[%arg0, %mul3A_124] : memref<2x10240xf32, #tpu.memory_space<hbm>> -> memref<1x640xf32, #tpu.memory_space<hbm>>
      %dma_start3A_126 = tpu.memref_squeeze %dma_start3A_125 : memref<1x640xf32, #tpu.memory_space<hbm>> -> memref<640xf32, #tpu.memory_space<hbm>>
      %dma_start3A_127 = tpu.memref_slice %arg26[%mul3A_122] : memref<10240xf32, #tpu.memory_space<vmem_shared>> -> memref<640xf32, #tpu.memory_space<vmem_shared>>
      tpu.enqueue_dma source(%dma_start3A_127 : memref<640xf32, #tpu.memory_space<vmem_shared>>) target(%dma_start3A_126 : memref<640xf32, #tpu.memory_space<hbm>>) target_semaphore(%run_scoped3A : memref<!tpu.dma_semaphore, #tpu.memory_space<semaphore_mem>>)
      %dma_wait3A_128 = tpu.memref_slice %arg7[%arg0, %mul3A_124] : memref<2x10240xf32, #tpu.memory_space<hbm>> -> memref<1x640xf32, #tpu.memory_space<hbm>>
      %dma_wait3A_129 = tpu.memref_squeeze %dma_wait3A_128 : memref<1x640xf32, #tpu.memory_space<hbm>> -> memref<640xf32, #tpu.memory_space<hbm>>
      %dma_wait3A_130 = tpu.memref_slice %arg26[%mul3A_122] : memref<10240xf32, #tpu.memory_space<vmem_shared>> -> memref<640xf32, #tpu.memory_space<vmem_shared>>
      tpu.wait_dma2 semaphore(%run_scoped3A : memref<!tpu.dma_semaphore, #tpu.memory_space<semaphore_mem>>) src(%dma_wait3A_130 : memref<640xf32, #tpu.memory_space<vmem_shared>>) dst(%dma_wait3A_129 : memref<640xf32, #tpu.memory_space<hbm>>)
      tpu.yield
    }) : () -> ()
    return
  }
}

module attributes {stable_mosaic.version = 14 : i64} {
  func.func @_gate_body(%arg0: i32, %arg1: memref<16x2560xf32, #tpu.memory_space<vmem>>, %arg2: memref<128x16xf32, #tpu.memory_space<vmem>>, %arg3: memref<128x1xf32, #tpu.memory_space<vmem>>, %arg4: memref<128x1xf32, #tpu.memory_space<vmem>>, %arg5: memref<1xf32, #tpu.memory_space<smem>>, %arg6: memref<1x1x2560xf32, #tpu.memory_space<vmem>>) attributes {dimension_semantics = [#tpu.dimension_semantics<arbitrary>], iteration_bounds = array<i64: 125>, scalar_prefetch = 0 : i64, scratch_operands = 0 : i64, tpu.core_type = #tpu.core_type<tc>, window_params = [{transform_indices = @transform_0, window_bounds = array<i64: 16, 2560>}, {pipeline_mode = #tpu.pipeline_mode<synchronous>, transform_indices = @transform_1, window_bounds = array<i64: 128, 16>}, {pipeline_mode = #tpu.pipeline_mode<synchronous>, transform_indices = @transform_2, window_bounds = array<i64: 128, 1>}, {pipeline_mode = #tpu.pipeline_mode<synchronous>, transform_indices = @transform_3, window_bounds = array<i64: 128, 1>}, {transform_indices = @transform_4, window_bounds = array<i64: 1>}, {transform_indices = @transform_5, window_bounds = array<i64: 1, 1, 2560>}]} {
    %get3A = arith.constant 0 : index
    %get3A_0 = arith.constant 0 : index
    %get3A_1 = vector.load %arg2[%get3A, %get3A_0] : memref<128x16xf32, #tpu.memory_space<vmem>>, vector<128x16xf32>
    %get3A_2 = arith.constant 0 : index
    %get3A_3 = arith.constant 0 : index
    %get3A_4 = vector.load %arg1[%get3A_2, %get3A_3] : memref<16x2560xf32, #tpu.memory_space<vmem>>, vector<16x2560xf32>
    %dot_general3A = arith.constant dense<0.000000e+00> : vector<128x2560xf32>
    %dot_general3A_5 = tpu.matmul %get3A_1, %get3A_4, %dot_general3A {dimension_numbers = #tpu.dot_dimension_numbers<[1], [0], [0], [1], [0, 0, 1, 1], [], []>, transpose_lhs_hint = false} : vector<128x16xf32>, vector<16x2560xf32>, vector<128x2560xf32> -> vector<128x2560xf32>
    %get3A_6 = arith.constant 0 : index
    %get3A_7 = arith.constant 0 : index
    %get3A_8 = vector.load %arg3[%get3A_6, %get3A_7] : memref<128x1xf32, #tpu.memory_space<vmem>>, vector<128x1xf32>
    %add3A = vector.broadcast %get3A_8 : vector<128x1xf32> to vector<128x2560xf32>
    %add3A_9 = arith.addf %dot_general3A_5, %add3A : vector<128x2560xf32>
    %mul3A = arith.constant 5.000000e-01 : f32
    %mul3A_10 = vector.broadcast %mul3A : f32 to vector<128x2560xf32>
    %mul3A_11 = arith.mulf %mul3A_10, %add3A_9 : vector<128x2560xf32>
    %mul3A_12 = arith.constant 0.707106769 : f32
    %mul3A_13 = vector.broadcast %mul3A_12 : f32 to vector<128x2560xf32>
    %mul3A_14 = arith.mulf %add3A_9, %mul3A_13 : vector<128x2560xf32>
    %erf3A = math.erf %mul3A_14 : vector<128x2560xf32>
    %add3A_15 = arith.constant 1.000000e+00 : f32
    %add3A_16 = vector.broadcast %add3A_15 : f32 to vector<128x2560xf32>
    %add3A_17 = arith.addf %add3A_16, %erf3A : vector<128x2560xf32>
    %mul3A_18 = arith.mulf %mul3A_11, %add3A_17 : vector<128x2560xf32>
    %get3A_19 = arith.constant 0 : index
    %get3A_20 = arith.constant 0 : index
    %get3A_21 = vector.load %arg4[%get3A_19, %get3A_20] : memref<128x1xf32, #tpu.memory_space<vmem>>, vector<128x1xf32>
    %mul3A_22 = vector.broadcast %get3A_21 : vector<128x1xf32> to vector<128x2560xf32>
    %mul3A_23 = arith.mulf %mul3A_18, %mul3A_22 : vector<128x2560xf32>
    %reduce_sum3A = arith.constant dense<0.000000e+00> : vector<2560xf32>
    %reduce_sum3A_24 = vector.multi_reduction <add>, %mul3A_23, %reduce_sum3A [0] : vector<128x2560xf32> to vector<2560xf32>
    %broadcast_in_dim3A = vector.shape_cast %reduce_sum3A_24 : vector<2560xf32> to vector<1x2560xf32>
    %get3A_25 = arith.constant 0 : index
    %get3A_26 = memref.load %arg5[%get3A_25] : memref<1xf32, #tpu.memory_space<smem>>
    %add3A_27 = vector.broadcast %get3A_26 : f32 to vector<1x2560xf32>
    %add3A_28 = arith.addf %broadcast_in_dim3A, %add3A_27 : vector<1x2560xf32>
    %logistic3A = arith.negf %add3A_28 : vector<1x2560xf32>
    %logistic3A_29 = math.exp %logistic3A : vector<1x2560xf32>
    %logistic3A_30 = arith.constant 1.000000e+00 : f32
    %logistic3A_31 = vector.broadcast %logistic3A_30 : f32 to vector<1x2560xf32>
    %logistic3A_32 = arith.addf %logistic3A_31, %logistic3A_29 : vector<1x2560xf32>
    %logistic3A_33 = arith.divf %logistic3A_31, %logistic3A_32 : vector<1x2560xf32>
    %broadcast_in_dim3A_34 = vector.shape_cast %logistic3A_33 : vector<1x2560xf32> to vector<1x1x2560xf32>
    %swap3A = arith.constant 0 : index
    %swap3A_35 = arith.constant 0 : index
    %swap3A_36 = arith.constant 0 : index
    %swap3A_37 = vector.load %arg6[%swap3A, %swap3A_35, %swap3A_36] : memref<1x1x2560xf32, #tpu.memory_space<vmem>>, vector<1x1x2560xf32>
    tpu.vector_store %arg6[%swap3A, %swap3A_35, %swap3A_36], %broadcast_in_dim3A_34 {strides = array<i32>} : memref<1x1x2560xf32, #tpu.memory_space<vmem>>, vector<1x1x2560xf32>,
    return
  }
  func.func @transform_0(%arg0: i32) -> (i32, i32) {
    %c0_i32 = arith.constant 0 : i32
    %c0_i32_0 = arith.constant 0 : i32
    return %c0_i32, %arg0 : i32, i32
  }
  func.func @transform_1(%arg0: i32) -> (i32, i32) {
    %c0_i32 = arith.constant 0 : i32
    %c0_i32_0 = arith.constant 0 : i32
    %c0_i32_1 = arith.constant 0 : i32
    return %c0_i32, %c0_i32_0 : i32, i32
  }
  func.func @transform_2(%arg0: i32) -> (i32, i32) {
    %c0_i32 = arith.constant 0 : i32
    %c0_i32_0 = arith.constant 0 : i32
    %c0_i32_1 = arith.constant 0 : i32
    return %c0_i32, %c0_i32_0 : i32, i32
  }
  func.func @transform_3(%arg0: i32) -> (i32, i32) {
    %c0_i32 = arith.constant 0 : i32
    %c0_i32_0 = arith.constant 0 : i32
    %c0_i32_1 = arith.constant 0 : i32
    return %c0_i32, %c0_i32_0 : i32, i32
  }
  func.func @transform_4(%arg0: i32) -> i32 {
    %c0_i32 = arith.constant 0 : i32
    %c0_i32_0 = arith.constant 0 : i32
    return %c0_i32 : i32
  }
  func.func @transform_5(%arg0: i32) -> (i32, i32, i32) {
    %c0_i32 = arith.constant 0 : i32
    %c0_i32_0 = arith.constant 0 : i32
    %c0_i32_1 = arith.constant 0 : i32
    return %arg0, %c0_i32, %c0_i32_0 : i32, i32, i32
  }
}

module attributes {stable_mosaic.version = 14 : i64} {
  func.func @_final_body(%arg0: i32, %arg1: memref<2x1000x128xf32, #tpu.memory_space<vmem>>, %arg2: memref<2x1000x1xf32, #tpu.memory_space<vmem>>, %arg3: memref<1000x128xf32, #tpu.memory_space<vmem>>, %arg4: memref<128x128xf32, #tpu.memory_space<vmem>>, %arg5: memref<128x128xf32, #tpu.memory_space<vmem>>, %arg6: memref<1x128xf32, #tpu.memory_space<vmem>>, %arg7: memref<1x128xf32, #tpu.memory_space<vmem>>, %arg8: memref<1x128xf32, #tpu.memory_space<vmem>>, %arg9: memref<1000x128xf32, #tpu.memory_space<vmem>>) attributes {dimension_semantics = [#tpu.dimension_semantics<arbitrary>], iteration_bounds = array<i64: 10>, scalar_prefetch = 0 : i64, scratch_operands = 0 : i64, tpu.core_type = #tpu.core_type<tc>, window_params = [{transform_indices = @transform_0, window_bounds = array<i64: 2, 1000, 128>}, {transform_indices = @transform_1, window_bounds = array<i64: 2, 1000, 1>}, {transform_indices = @transform_2, window_bounds = array<i64: 1000, 128>}, {pipeline_mode = #tpu.pipeline_mode<synchronous>, transform_indices = @transform_3, window_bounds = array<i64: 128, 128>}, {pipeline_mode = #tpu.pipeline_mode<synchronous>, transform_indices = @transform_4, window_bounds = array<i64: 128, 128>}, {pipeline_mode = #tpu.pipeline_mode<synchronous>, transform_indices = @transform_5, window_bounds = array<i64: 1, 128>}, {pipeline_mode = #tpu.pipeline_mode<synchronous>, transform_indices = @transform_6, window_bounds = array<i64: 1, 128>}, {pipeline_mode = #tpu.pipeline_mode<synchronous>, transform_indices = @transform_7, window_bounds = array<i64: 1, 128>}, {transform_indices = @transform_8, window_bounds = array<i64: 1000, 128>}]} {
    %get3A = arith.constant 0 : index
    %get3A_0 = arith.constant 0 : index
    %get3A_1 = arith.constant 0 : index
    %get3A_2 = vector.load %arg1[%get3A, %get3A_0, %get3A_1] : memref<2x1000x128xf32, #tpu.memory_space<vmem>>, vector<1x1000x128xf32>
    %get3A_3 = vector.shape_cast %get3A_2 : vector<1x1000x128xf32> to vector<1000x128xf32>
    %get3A_4 = arith.constant 1 : index
    %get3A_5 = arith.constant 0 : index
    %get3A_6 = arith.constant 0 : index
    %get3A_7 = vector.load %arg1[%get3A_4, %get3A_5, %get3A_6] : memref<2x1000x128xf32, #tpu.memory_space<vmem>>, vector<1x1000x128xf32>
    %get3A_8 = vector.shape_cast %get3A_7 : vector<1x1000x128xf32> to vector<1000x128xf32>
    %add3A = arith.addf %get3A_3, %get3A_8 : vector<1000x128xf32>
    %get3A_9 = arith.constant 0 : index
    %get3A_10 = arith.constant 0 : index
    %get3A_11 = arith.constant 0 : index
    %get3A_12 = vector.load %arg2[%get3A_9, %get3A_10, %get3A_11] : memref<2x1000x1xf32, #tpu.memory_space<vmem>>, vector<1x1000x1xf32>
    %get3A_13 = vector.shape_cast %get3A_12 : vector<1x1000x1xf32> to vector<1000x1xf32>
    %get3A_14 = arith.constant 1 : index
    %get3A_15 = arith.constant 0 : index
    %get3A_16 = arith.constant 0 : index
    %get3A_17 = vector.load %arg2[%get3A_14, %get3A_15, %get3A_16] : memref<2x1000x1xf32, #tpu.memory_space<vmem>>, vector<1x1000x1xf32>
    %get3A_18 = vector.shape_cast %get3A_17 : vector<1x1000x1xf32> to vector<1000x1xf32>
    %add3A_19 = arith.addf %get3A_13, %get3A_18 : vector<1000x1xf32>
    %max3A = arith.constant 1.000000e+00 : f32
    %max3A_20 = vector.broadcast %max3A : f32 to vector<1000x1xf32>
    %max3A_21 = arith.maximumf %add3A_19, %max3A_20 : vector<1000x1xf32>
    %div3A = vector.broadcast %max3A_21 : vector<1000x1xf32> to vector<1000x128xf32>
    %div3A_22 = arith.divf %add3A, %div3A : vector<1000x128xf32>
    %get3A_23 = arith.constant 0 : index
    %get3A_24 = arith.constant 0 : index
    %get3A_25 = vector.load %arg4[%get3A_23, %get3A_24] : memref<128x128xf32, #tpu.memory_space<vmem>>, vector<128x128xf32>
    %dot_general3A = arith.constant dense<0.000000e+00> : vector<1000x128xf32>
    %dot_general3A_26 = tpu.matmul %div3A_22, %get3A_25, %dot_general3A {dimension_numbers = #tpu.dot_dimension_numbers<[1], [1], [0], [0], [0, 0, 1, 0], [], []>, transpose_lhs_hint = false} : vector<1000x128xf32>, vector<128x128xf32>, vector<1000x128xf32> -> vector<1000x128xf32>
    %get3A_27 = arith.constant 0 : index
    %get3A_28 = arith.constant 0 : index
    %get3A_29 = vector.load %arg3[%get3A_27, %get3A_28] : memref<1000x128xf32, #tpu.memory_space<vmem>>, vector<1000x128xf32>
    %get3A_30 = arith.constant 0 : index
    %get3A_31 = arith.constant 0 : index
    %get3A_32 = vector.load %arg5[%get3A_30, %get3A_31] : memref<128x128xf32, #tpu.memory_space<vmem>>, vector<128x128xf32>
    %dot_general3A_33 = arith.constant dense<0.000000e+00> : vector<1000x128xf32>
    %dot_general3A_34 = tpu.matmul %get3A_29, %get3A_32, %dot_general3A_33 {dimension_numbers = #tpu.dot_dimension_numbers<[1], [1], [0], [0], [0, 0, 1, 0], [], []>, transpose_lhs_hint = false} : vector<1000x128xf32>, vector<128x128xf32>, vector<1000x128xf32> -> vector<1000x128xf32>
    %add3A_35 = arith.addf %dot_general3A_26, %dot_general3A_34 : vector<1000x128xf32>
    %get3A_36 = arith.constant 0 : index
    %get3A_37 = arith.constant 0 : index
    %get3A_38 = vector.load %arg6[%get3A_36, %get3A_37] : memref<1x128xf32, #tpu.memory_space<vmem>>, vector<1x128xf32>
    %add3A_39 = vector.broadcast %get3A_38 : vector<1x128xf32> to vector<1000x128xf32>
    %add3A_40 = arith.addf %add3A_35, %add3A_39 : vector<1000x128xf32>
    %reduce_sum3A = arith.constant dense<0.000000e+00> : vector<1000xf32>
    %reduce_sum3A_41 = vector.multi_reduction <add>, %add3A_40, %reduce_sum3A [1] : vector<1000x128xf32> to vector<1000xf32>
    %broadcast_in_dim3A = vector.shape_cast %reduce_sum3A_41 : vector<1000xf32> to vector<1000x1xf32>
    %div3A_42 = arith.constant 1.280000e+02 : f32
    %div3A_43 = vector.broadcast %div3A_42 : f32 to vector<1000x1xf32>
    %div3A_44 = arith.divf %broadcast_in_dim3A, %div3A_43 : vector<1000x1xf32>
    %sub3A = vector.broadcast %div3A_44 : vector<1000x1xf32> to vector<1000x128xf32>
    %sub3A_45 = arith.subf %add3A_40, %sub3A : vector<1000x128xf32>
    %mul3A = arith.mulf %sub3A_45, %sub3A_45 : vector<1000x128xf32>
    %reduce_sum3A_46 = arith.constant dense<0.000000e+00> : vector<1000xf32>
    %reduce_sum3A_47 = vector.multi_reduction <add>, %mul3A, %reduce_sum3A_46 [1] : vector<1000x128xf32> to vector<1000xf32>
    %broadcast_in_dim3A_48 = vector.shape_cast %reduce_sum3A_47 : vector<1000xf32> to vector<1000x1xf32>
    %div3A_49 = arith.constant 1.280000e+02 : f32
    %div3A_50 = vector.broadcast %div3A_49 : f32 to vector<1000x1xf32>
    %div3A_51 = arith.divf %broadcast_in_dim3A_48, %div3A_50 : vector<1000x1xf32>
    %add3A_52 = arith.constant 9.99999974E-6 : f32
    %add3A_53 = vector.broadcast %add3A_52 : f32 to vector<1000x1xf32>
    %add3A_54 = arith.addf %div3A_51, %add3A_53 : vector<1000x1xf32>
    %rsqrt3A = math.rsqrt %add3A_54 : vector<1000x1xf32>
    %mul3A_55 = vector.broadcast %rsqrt3A : vector<1000x1xf32> to vector<1000x128xf32>
    %mul3A_56 = arith.mulf %sub3A_45, %mul3A_55 : vector<1000x128xf32>
    %get3A_57 = arith.constant 0 : index
    %get3A_58 = arith.constant 0 : index
    %get3A_59 = vector.load %arg7[%get3A_57, %get3A_58] : memref<1x128xf32, #tpu.memory_space<vmem>>, vector<1x128xf32>
    %mul3A_60 = vector.broadcast %get3A_59 : vector<1x128xf32> to vector<1000x128xf32>
    %mul3A_61 = arith.mulf %mul3A_56, %mul3A_60 : vector<1000x128xf32>
    %get3A_62 = arith.constant 0 : index
    %get3A_63 = arith.constant 0 : index
    %get3A_64 = vector.load %arg8[%get3A_62, %get3A_63] : memref<1x128xf32, #tpu.memory_space<vmem>>, vector<1x128xf32>
    %add3A_65 = vector.broadcast %get3A_64 : vector<1x128xf32> to vector<1000x128xf32>
    %add3A_66 = arith.addf %mul3A_61, %add3A_65 : vector<1000x128xf32>
    %mul3A_67 = arith.constant 5.000000e-01 : f32
    %mul3A_68 = vector.broadcast %mul3A_67 : f32 to vector<1000x128xf32>
    %mul3A_69 = arith.mulf %mul3A_68, %add3A_66 : vector<1000x128xf32>
    %mul3A_70 = arith.constant 0.707106769 : f32
    %mul3A_71 = vector.broadcast %mul3A_70 : f32 to vector<1000x128xf32>
    %mul3A_72 = arith.mulf %add3A_66, %mul3A_71 : vector<1000x128xf32>
    %erf3A = math.erf %mul3A_72 : vector<1000x128xf32>
    %add3A_73 = arith.constant 1.000000e+00 : f32
    %add3A_74 = vector.broadcast %add3A_73 : f32 to vector<1000x128xf32>
    %add3A_75 = arith.addf %add3A_74, %erf3A : vector<1000x128xf32>
    %mul3A_76 = arith.mulf %mul3A_69, %add3A_75 : vector<1000x128xf32>
    %swap3A = arith.constant 0 : index
    %swap3A_77 = arith.constant 0 : index
    %swap3A_78 = vector.load %arg9[%swap3A, %swap3A_77] : memref<1000x128xf32, #tpu.memory_space<vmem>>, vector<1000x128xf32>
    tpu.vector_store %arg9[%swap3A, %swap3A_77], %mul3A_76 {strides = array<i32>} : memref<1000x128xf32, #tpu.memory_space<vmem>>, vector<1000x128xf32>,
    return
  }
  func.func @transform_0(%arg0: i32) -> (i32, i32, i32) {
    %c0_i32 = arith.constant 0 : i32
    %c0_i32_0 = arith.constant 0 : i32
    %c0_i32_1 = arith.constant 0 : i32
    return %c0_i32, %arg0, %c0_i32_0 : i32, i32, i32
  }
  func.func @transform_1(%arg0: i32) -> (i32, i32, i32) {
    %c0_i32 = arith.constant 0 : i32
    %c0_i32_0 = arith.constant 0 : i32
    %c0_i32_1 = arith.constant 0 : i32
    return %c0_i32, %arg0, %c0_i32_0 : i32, i32, i32
  }
  func.func @transform_2(%arg0: i32) -> (i32, i32) {
    %c0_i32 = arith.constant 0 : i32
    %c0_i32_0 = arith.constant 0 : i32
    return %arg0, %c0_i32 : i32, i32
  }
  func.func @transform_3(%arg0: i32) -> (i32, i32) {
    %c0_i32 = arith.constant 0 : i32
    %c0_i32_0 = arith.constant 0 : i32
    %c0_i32_1 = arith.constant 0 : i32
    return %c0_i32, %c0_i32_0 : i32, i32
  }
  func.func @transform_4(%arg0: i32) -> (i32, i32) {
    %c0_i32 = arith.constant 0 : i32
    %c0_i32_0 = arith.constant 0 : i32
    %c0_i32_1 = arith.constant 0 : i32
    return %c0_i32, %c0_i32_0 : i32, i32
  }
  func.func @transform_5(%arg0: i32) -> (i32, i32) {
    %c0_i32 = arith.constant 0 : i32
    %c0_i32_0 = arith.constant 0 : i32
    %c0_i32_1 = arith.constant 0 : i32
    return %c0_i32, %c0_i32_0 : i32, i32
  }
  func.func @transform_6(%arg0: i32) -> (i32, i32) {
    %c0_i32 = arith.constant 0 : i32
    %c0_i32_0 = arith.constant 0 : i32
    %c0_i32_1 = arith.constant 0 : i32
    return %c0_i32, %c0_i32_0 : i32, i32
  }
  func.func @transform_7(%arg0: i32) -> (i32, i32) {
    %c0_i32 = arith.constant 0 : i32
    %c0_i32_0 = arith.constant 0 : i32
    %c0_i32_1 = arith.constant 0 : i32
    return %c0_i32, %c0_i32_0 : i32, i32
  }
  func.func @transform_8(%arg0: i32) -> (i32, i32) {
    %c0_i32 = arith.constant 0 : i32
    %c0_i32_0 = arith.constant 0 : i32
    return %arg0, %c0_i32 : i32, i32
  }
}

</mosaic_0001>

<sc_bundles>
// kernel: kernel.5.cloned.1.call-start
scs
__scs_entry_jumppad:
0x0: {  	(pc) =	sbr.rel $0x88, $3  }
0x1: {  	(tag) =	ssettag $0x0;
	lr =	simm.s32 $0x1  }
0x2: {  	[smem:$0x3F94] =	sst lr;
	_ =	strace $0xD0000000  }
0x3: {  	_ = 	snop  }
0x4: {  	_ = 	snop  }
0x5: {  	_ = 	snop  }
0x6: {  	_ = 	snop  }
0x7: {  	_ = 	snop  }
__scs_overlays_trampoline_lowered:
0x8: {  	[smem:$0x3FA3] =	sst s0  }
0x9: {  	[smem:$0x3FA4] =	sst s1  }
0xa: {  	[smem:$0x3FA5] =	sst s2  }
0xb: {  	[smem:$0x3FA6] =	sst s3  }
0xc: {  	[smem:$0x3FA7] =	sst s4  }
0xd: {  	[smem:$0x3FA8] =	sst s5  }
0xe: {  	[smem:$0x3FA9] =	sst s6  }
0xf: {  	[smem:$0x3FAA] =	sst s7  }
0x10: {  	[smem:$0x3FAB] =	sst s8  }
0x11: {  	[smem:$0x3FAC] =	sst s9;
	s0 =	simm.s32 @!p0 $0x0  }
0x12: {  	s1 =	sld [smem:$0x3F92];
	s0 =	simm.s32 @p0 $0x1  }
0x13: {  	[smem:$0x3FAD] =	sst s0;
	s0 =	simm.s32 @!p1 $0x0  }
0x14: {  	s2 =	sld [smem:$0x3F91];
	s0 =	simm.s32 @p1 $0x1  }
0x15: {  	[smem:$0x3FAE] =	sst s0;
	s0 =	simm.s32 @!p2 $0x0  }
0x16: {  	s3 =	sld [smem:$0x3FDB];
	s0 =	simm.s32 @p2 $0x1  }
0x17: {  	s4 =	simm.s32 $0x1BF5;
	[smem:$0x3FB0] =	sst s0  }
0x18: {  	s0 =	sld [smem:$0x3F93];
	_ =	swait.ge [sflag:s4], $0x0  }
0x19: {  	s7 =	sld [smem:$0x3F94]  }
0x1a: {  	s8 =	sadd.s32 $0xFFFFE003, lr  }
0x1b: {  	s9 =	sadd.s32 $0xFFFFFEF7, lr;
	s5 =	simm.s32 $0xFFFFFFFF;
	p2 =	slt.u32 s8, $0xFFFFF086  }
0x1c: {  	p1 =	slt.u32 s9, $0xF7A;
	s5 =	simm.s32 @!p2 $0x0  }
0x1d: {  	s5 =	simm.s32 @p1 $0x1;
	p0 =	seq.s32 s7, s2  }
0x1e: {  	s7 =	smul.u32 @!p0 $0xF7A, s2;
	p2 =	seq.s32 @!p0 s5, $0x0  }
0x1f: {  	s9 =	smul.u32 $0xF7A, s1;
	s8 =	simm.s32 @!p0 $0x1BF5;
	p2 =	por !p2, p0  }
0x20: {  	[sflag:s8] =	ssyncset.s32 @!p0 $0xFFFFF086;
	s6 =	sadd.s32 @!p0 s3, s7;
	s7 =	simm.s32 @!p0 $0x108  }
0x21: {  	s3 =	sadd.s32 s3, s9;
	s6 =	sadd.s32 @!p0 $0x88, s6;
	s7 =	simm.s32 @p2 $0x1082  }
0x22: {  	[simem:s7], [sflag:s8] =	dma.local @!p0 [hbm:s6], $0xF7A  }
0x23: {  	s9 =	sor.u32 $0xD0000000, s2;
	s6 =	simm.s32 $0x108;
	_ =	swait.ge @!p0 [sflag:s8], $0x0  }
0x24: {  	s3 =	sadd.s32 $0x88, s3;
	s6 =	simm.s32 @!p1 $0x1082;
	[sflag:s4] =	ssyncset.s32 $0xFFFFF086  }
0x25: {  	[simem:s6], [sflag:s4] =	dma.local [hbm:s3], $0xF7A  }
0x26: {  	[smem:$0x3F94] =	sst s1;
	(tag) =	ssettag s2;
	_ =	strace s9  }
0x27: {  	s1 =	sld [smem:$0x3FA4]  }
0x28: {  	s2 =	sld [smem:$0x3FA5]  }
0x29: {  	s4 =	sld [smem:$0x3FA7]  }
0x2a: {  	p0 =	seq.s32 s5, $0x0;
	s5 =	sld [smem:$0x3FA8]  }
0x2b: {  	s6 =	sld [smem:$0x3FA9]  }
0x2c: {  	s7 =	sld [smem:$0x3FAA]  }
0x2d: {  	s3 =	simm.s32 $0x108;
	s8 =	sld [smem:$0x3FAB]  }
0x2e: {  	s3 =	simm.s32 @!p0 $0x1082;
	s9 =	sld [smem:$0x3FAC]  }
0x2f: {  	lr =	sadd.s32 s0, s3;
	s0 =	sld [smem:$0x3FA3]  }
0x30: {  	s3 =	sld [smem:$0x3FA6]  }
0x31: {  	[smem:$0x3FAF] =	sst s10  }
0x32: {  	s10 =	sld [smem:$0x3FAD];
	_ =	sdelay $0x3  }
0x33: {  	p0 =	seq.s32 s10, $0x1;
	s10 =	sld [smem:$0x3FAF];
	_ =	sdelay $0x3  }
0x34: {  	[smem:$0x3FAF] =	sst s10  }
0x35: {  	s10 =	sld [smem:$0x3FAE];
	_ =	sdelay $0x3  }
0x36: {  	p1 =	seq.s32 s10, $0x1;
	s10 =	sld [smem:$0x3FAF];
	_ =	sdelay $0x3  }
0x37: {  	[smem:$0x3FAF] =	sst s10  }
0x38: {  	s10 =	sld [smem:$0x3FB0]  }
0x39: {  	_ = 	snop;
	(pc) =	sbr.ind lr, $3  }
0x3a: {  	_ = 	snop  }
0x3b: {  	_ = 	snop  }
0x3c: {  	p2 =	seq.s32 s10, $0x1;
	s10 =	sld [smem:$0x3FAF]  }
0x3d: {  	_ =	shalt  }
0x3e: {  	_ =	shalt  }
0x3f: {  	_ =	shalt  }
0x40: {  	_ =	shalt  }
0x41: {  	_ =	shalt  }
0x42: {  	_ =	shalt  }
0x43: {  	_ =	shalt  }
0x44: {  	_ =	shalt  }
0x45: {  	_ =	shalt  }
0x46: {  	_ =	shalt  }
0x47: {  	_ =	shalt  }
0x48: {  	_ =	shalt  }
0x49: {  	_ =	shalt  }
0x4a: {  	_ =	shalt  }
0x4b: {  	_ =	shalt  }
0x4c: {  	_ =	shalt  }
0x4d: {  	_ =	shalt  }
0x4e: {  	_ =	shalt  }
0x4f: {  	_ =	shalt  }
0x50: {  	_ =	shalt  }
0x51: {  	_ =	shalt  }
0x52: {  	_ =	shalt  }
0x53: {  	_ =	shalt  }
0x54: {  	_ =	shalt  }
0x55: {  	_ =	shalt  }
0x56: {  	_ =	shalt  }
0x57: {  	_ =	shalt  }
0x58: {  	_ =	shalt  }
0x59: {  	_ =	shalt  }
0x5a: {  	_ =	shalt  }
0x5b: {  	_ =	shalt  }
0x5c: {  	_ =	shalt  }
0x5d: {  	_ =	shalt  }
0x5e: {  	_ =	shalt  }
0x5f: {  	_ =	shalt  }
0x60: {  	_ =	shalt  }
0x61: {  	_ =	shalt  }
0x62: {  	_ =	shalt  }
0x63: {  	_ =	shalt  }
0x64: {  	_ =	shalt  }
0x65: {  	_ =	shalt  }
0x66: {  	_ =	shalt  }
0x67: {  	_ =	shalt  }
0x68: {  	_ =	shalt  }
0x69: {  	_ =	shalt  }
0x6a: {  	_ =	shalt  }
0x6b: {  	_ =	shalt  }
0x6c: {  	_ =	shalt  }
0x6d: {  	_ =	shalt  }
0x6e: {  	_ =	shalt  }
0x6f: {  	_ =	shalt  }
0x70: {  	_ =	shalt  }
0x71: {  	_ =	shalt  }
0x72: {  	_ =	shalt  }
0x73: {  	_ =	shalt  }
0x74: {  	_ =	shalt  }
0x75: {  	_ =	shalt  }
0x76: {  	_ =	shalt  }
0x77: {  	_ =	shalt  }
0x78: {  	_ =	shalt  }
0x79: {  	_ =	shalt  }
0x7a: {  	_ =	shalt  }
0x7b: {  	_ =	shalt  }
0x7c: {  	_ =	shalt  }
0x7d: {  	_ =	shalt  }
0x7e: {  	_ =	shalt  }
0x7f: {  	_ =	shalt  }
0x80: {  	_ =	shalt  }
0x81: {  	_ =	shalt  }
0x82: {  	_ =	shalt  }
0x83: {  	_ =	shalt  }
0x84: {  	_ =	shalt  }
0x85: {  	_ =	shalt  }
0x86: {  	_ =	shalt  }
0x87: {  	_ =	shalt  }
.Lfunc_end0:
.L_simem_size_0:
called_computation_lowered:
.L_overlay_start_0:
0x88: {  	s2 =	sld [smem:$0x3FD9]  }
0x89: {  	s3 =	sld [smem:$0x3FFE];
	_ =	sdelay $0x1  }
0x8a: {  	s1 =	srdreg.scid  }
0x8b: {  	s0 =	sand.u32 $0x1, s1  }
0x8c: {  	s17 =	sshll.u32 s0, $0xA;
	s2 =	sadd.s32 s3, s2  }
0x8d: {  	s2 =	sadd.s32 s2, s17  }
0x8e: {  	[smem:$0x3FBB] =	sst s2  }
0x8f: {  	_ = 	snop  }
0x90: {  	s2 =	sld [smem:$0x3FC9]  }
0x91: {  	s18 =	sld [smem:$0x3FD0];
	(tm) =	ssettm $0x1  }
0x92: {  	s4 =	sld [smem:$0x3FFB];
	_ =	sdelay $0x3  }
0x93: {  	_ =	strace s4  }
0x94: {  	s4 =	sld [smem:$0x3FFC];
	_ =	sdelay $0x3  }
0x95: {  	_ =	strace s4  }
0x96: {  	s4 =	sld [smem:$0x3FFD];
	_ =	sdelay $0x3  }
0x97: {  	_ =	strace s4  }
0x98: {  	_ =	strace $0x8FFFFFFF  }
0x99: {  	s19 =	sld [smem:$0x3FDB];
	_ =	sdelay $0x1  }
0x9a: {  	s5 =	simm.s32 $_scs_section_size  }
0x9b: {  	s6 =	simm.s32 $_size__tile_overlayer_lowered;
	s7 =	simm.s32 $_tile_overlayer_lowered  }
0x9c: {  	s22 =	simm.s32 $0x1BFF;
	s21 =	sshll.u32 s7, $0x1;
	s4 =	sadd.s32 s5, s19  }
0x9d: {  	s8 =	simm.s32 $0x0;
	s20 =	sshll.u32 s6, $0x1;
	s6 =	sadd.s32 s21, s4  }
0x9e: {  	[timem:s8], [sflag:s22] =	dma.local [hbm:s6], s20  }
0x9f: {  	_ =	swait.ge [sflag:s22], s20  }
0xa0: {  	s5 =	ssub.s32 $0x0, s20;
	[sflag:s22] =	ssyncset.done $0x0  }
0xa1: {  	[sflag:s22] =	ssyncadd.s32 s5;
	_ =	sdelay $0x1  }
0xa2: {  	s23 =	simm.s32 $0x1B8B  }
0xa3: {  	_ =	swait.ge [sflag:s23], $0x1  }
0xa4: {  	[sflag:s23] =	ssyncset.done $0x0  }
0xa5: {  	s25 =	simm.s32 $0x1B8E;
	s24 =	sld [smem:$0x3FFE];
	[sflag:s23] =	ssyncadd.s32 $0xFFFFFFFF  }
0xa6: {  	s26 =	simm.s32 $execute0_lowered;
	[smem:$0x3FD2] =	sst s25  }
0xa7: {  	s6 =	sshll.u32 s26, $0x1;
	_ =	strace $0x80000046;
	[dreg:$0x1] =	wrdreg $0xFFFFFFFF  }
0xa8: {  	s28 =	simm.s32 $_size_execute0_lowered;
	s4 =	sadd.s32 s4, s6;
	[dreg:$0x0] =	wrdreg $0x0  }
0xa9: {  	s6 =	sshll.u32 s28, $0x1;
	[dreg:$0x2] =	wrdreg s4  }
0xaa: {  	[dreg:$0x3] =	wrdreg s6  }
0xab: {  	[dreg:$0x4] =	wrdreg $0xC0  }
0xac: {  	_ =	task [dreg:s8], $0x5FFFF  }
0xad: {  	[dreg:$0x1] =	wrdreg $0xFFFFFFFF  }
0xae: {  	[dreg:$0x0] =	wrdreg $0x60  }
0xaf: {  	[dreg:$0x2] =	wrdreg s2  }
0xb0: {  	[dreg:$0x3] =	wrdreg s24  }
0xb1: {  	[dreg:$0x4] =	wrdreg s18  }
0xb2: {  	[dreg:$0x5] =	wrdreg $0xA6800  }
0xb3: {  	[dreg:$0x6] =	wrdreg $0x1E6800  }
0xb4: {  	[dreg:$0x7] =	wrdreg $0x9  }
0xb5: {  	_ =	task.clear_ibuf [dreg:s8], $0x8FFFF;
	_ =	strace $0x90000046  }
0xb6: {  	s29 =	simm.s32 $0x9;
	_ =	strace $0x80000048  }
0xb7: {  	_ =	swait.ge [sflag:s29], $0x1  }
0xb8: {  	[sflag:s29] =	ssyncadd.s32 $0xFFFFFFFF  }
0xb9: {  	_ =	strace $0x90000048  }
0xba: {  	_ =	sfence  }
0xbb: {  	s30 =	sld [smem:$0x0];
	_ =	sdelay $0x2  }
0xbc: {  	s31 =	sshll.u32 s1, $0xD;
	s1 =	sshrl.u32 s1, $0x2  }
0xbd: {  	s3 =	sand.u32 $0x4000, s31;
	s1 =	sadd.s32 s1, s30  }
0xbe: {  	s0 =	sor.u32 s3, s0;
	s1 =	sshll.u32 s1, $0x11  }
0xbf: {  	s0 =	sor.u32 s1, s0  }
0xc0: {  	s0 =	sadd.s32 $0x8F2B, s0  }
0xc1: {  	[sflag:s0] =	ssyncadd.remote.s32 $0x1  }
0xc2: {  	_ =	sfence.sel $0xFFFF  }
0xc3: {  	[dreg:$0x0] =	wrdreg $0xFFFFFFFF;
	(pc) =	sbr.abs _section_cstart, $3  }
0xc4: {  	[dreg:$0x1] =	wrdreg $0xFFFFFFFF  }
0xc5: {  	_ =	task.clear_ibuf [dreg:s8], $0x2FFFF;
	_ =	strace $0x9FFFFFFF  }
0xc6: {  	(tm) =	ssettm $0x7FFFFFFF  }
0xc7: {  	_ =	shalt  }
tec
execute0_lowered:
.L_overlay_start_1:
0x0: {  	(tag) =	ssettag $0x1  }
0x1: {  	s1 =	rddreg [dreg:$0x0]  }
0x2: {  	s0 =	rddreg [dreg:$0x1]  }
0x3: {  	s2 =	rddreg [dreg:$0x2]  }
0x4: {  	s3 =	rddreg [dreg:$0x3]  }
0x5: {  	s4 =	rddreg [dreg:$0x4];
	s13 =	stileid.u32  }
0x6: {  	s6 =	simm.s32 $0x0;
	s5 =	srdreg.scid;
	s9 =	smul.u32 $0x14000, s13  }
0x7: {  	[smem:$0x7FF] =	sst s6;
	s5 =	sand.u32 $0x1, s5;
	s10 =	smul.u32 $0x500, s13  }
0x8: {  	s7 =	sadd.s32 $0xB000, s0;
	s8 =	sadd.s32 $0x1200, s0;
	s26 =	smul.u32 $0x50000, s13  }
0x9: {  	s21 =	smul.u32 $0x140000, s5;
	_ =	strace $0x80000047;
	s11 =	sshll.u32 s5, $0x4  }
0xa: {  	s22 =	sshll.u32 s5, $0x7;
	s5 =	ssub.s32 $0x2, s5;
	s11 =	sor.u32 s13, s11  }
0xb: {  	s10 =	sor.u32 s22, s10;
	s23 =	sshrl.u32 s5, $0x1;
	s13 =	smul.u32 $0xA00, s13  }
0xc: {  	s6 =	sadd.s32 s9, s21;
	s9 =	smul.u32 $0x2710, s11;
	s25 =	sshll.u32 s11, $0xB  }
0xd: {  	s10 =	sshrl.u32 s10, $0x3;
	s5 =	ssub.s32 s5, s23;
	s14 =	sadd.s32 s2, s25  }
0xe: {  	s13 =	sshrl.u32 s13, $0x2;
	[dreg:$0x7] =	wrdreg s14;
	s14 =	sadd.s32 $0x10, s14  }
0xf: {  	s12 =	sshrl.u32 s9, $0x3;
	s23 =	sadd.s32 s13, s4;
	[dreg:$0xa] =	wrdreg s14  }
0x10: {  	s6 =	sshrl.u32 s6, $0x3;
	s24 =	sadd.s32 s7, s12;
	[dreg:$0xf] =	wrdreg s23  }
0x11: {  	s6 =	sadd.s32 s6, s0;
	s15 =	sadd.s32 s8, s12;
	[dreg:$0x6] =	wrdreg s24  }
0x12: {  	s0 =	sadd.s32 s10, s0;
	s6 =	sadd.s32 $0x15800, s6;
	[dreg:$0x8] =	wrdreg s15  }
0x13: {  	s0 =	sadd.s32 $0x14E00, s0;
	[dreg:$0xc] =	wrdreg s6  }
0x14: {  	s14 =	smax.u32 s5, $0x1;
	[dreg:$0xe] =	wrdreg s0  }
0x15: {  	s12 =	sadd.s32 $0xA, s12;
	s25 =	sadd.s32 $0x100, s23;
	[dreg:$0x10] =	wrdreg s14  }
0x16: {  	s31 =	sadd.s32 s7, s12;
	[dreg:$0x19] =	wrdreg s25  }
0x17: {  	s12 =	sadd.s32 s8, s12;
	[dreg:$0x9] =	wrdreg s31  }
0x18: {  	s29 =	simm.s32 $0xA600;
	s24 =	sadd.s32 $0x80, s23;
	[dreg:$0xb] =	wrdreg s12  }
0x19: {  	s12 =	sshrl.u32 s26, $0x2;
	[dreg:$0x18] =	wrdreg s24;
	s26 =	sadd.s32 $0x180, s23  }
0x1a: {  	s30 =	simm.s32 $0x3;
	s31 =	sadd.s32 $0x200, s23;
	[dreg:$0x1a] =	wrdreg s26  }
0x1b: {  	s28 =	simm.s32 $0x380;
	s20 =	sadd.s32 s12, s3;
	[dreg:$0x1b] =	wrdreg s31  }
0x1c: {  	s11 =	sshll.u32 s11, $0xE;
	s15 =	sadd.s32 $0x2800, s20;
	[dreg:$0xd] =	wrdreg s20  }
0x1d: {  	s13 =	simm.s32 $0x280;
	s16 =	sadd.s32 $0x5000, s20;
	[dreg:$0x11] =	wrdreg s15  }
0x1e: {  	s14 =	simm.s32 $0x400;
	s17 =	sadd.s32 $0x7800, s20;
	[dreg:$0x12] =	wrdreg s16  }
0x1f: {  	s25 =	simm.s32 $0x500;
	s18 =	sadd.s32 $0xA000, s20;
	[dreg:$0x13] =	wrdreg s17  }
0x20: {  	s0 =	simm.s32 $0x580;
	s19 =	sadd.s32 $0xC800, s20;
	[dreg:$0x14] =	wrdreg s18  }
0x21: {  	s6 =	simm.s32 $0x0;
	s21 =	sadd.s32 $0xF000, s20;
	[dreg:$0x15] =	wrdreg s19  }
0x22: {  	s24 =	simm.s32 $0xD;
	s22 =	sadd.s32 $0x11800, s20;
	[dreg:$0x16] =	wrdreg s21  }
0x23: {  	s26 =	simm.s32 $0xA;
	[dreg:$0x17] =	wrdreg s22;
	s17 =	simm.s32 $0x480  }
0x24: {  	s19 =	simm.s32 $0x1;
	s21 =	simm.s32 $0x50;
	s22 =	simm.s32 $0x2  }
0x25: {  	v0 =	vimm.f32 $0.0e+00;
	v1 =	vimm.f32 $1.000000000e+00;
	s16 =	simm.s32 $0x300;
	s18 =	simm.s32 $0x4;
	s15 =	simm.s32 $0x9  }
.LBB2_1:
0x26: {  	s31 =	simm.s32 $0x0  }
0x27: {  	s5 =	sand.u32 $0xFE00, s31  }
0x28: {  	[dreg:$0x1c] =	wrdreg s6;
	s6 =	sand.u32 $0x70, s31;
	s10 =	sshrl.u32 s5, $0x2  }
0x29: {  	s5 =	simm.s32 $0x40;
	s10 =	sor.u32 s6, s10;
	s6 =	simm.s32 $0x0  }
.LBB2_2:
0x2a: {  	p0 =	sne.s32 s5, $0x9FC0  }
0x2b: {  	[tilespmem:s10+$0x600] =	vst v0;
	s6 =	sadd.s32 $0x10, s6;
	s10 =	smov.u32 s5;
	s5 =	sadd.s32 $0x40, s5  }
.Ltmp0:
0x2c: {  	(pc) =	sbr.rel @p0 .LBB2_2-.Ltmp0, $4  }
0x2d: {  	_ = 	snop  }
0x2e: {  	s10 =	sand.u32 $0xFE00, s10  }
0x2f: {  	s12 =	sand.u32 $0x70, s6;
	s10 =	sshrl.u32 s10, $0x2  }
0x30: {  	s10 =	sor.u32 s12, s10  }
0x31: {  	[tilespmem:s10+$0x600] =	vst v0;
	s6 =	simm.s32 $0x600  }
0x32: {  	[spmem:s20] =	stream.linear.scatter [tilespmem:s6], [sflag:$0xD], $0x2800, $0x38;
	[tilespmem:$0x1E900] =	vst v63  }
0x33: {  	_ =	swait.ge [sflag:s24], $0x2800  }
0x34: {  	[sflag:s24] =	ssyncset.done $0x0  }
0x35: {  	s5 =	rddreg [dreg:$0x11];
	[sflag:s24] =	ssyncadd.s32 $0xFFFFD800  }
0x36: {  	[spmem:s5] =	stream.linear.scatter [tilespmem:s6], [sflag:$0xD], $0x2800, $0x38;
	[tilespmem:$0x1E900] =	vst v63  }
0x37: {  	_ =	swait.ge [sflag:s24], $0x2800  }
0x38: {  	[sflag:s24] =	ssyncset.done $0x0  }
0x39: {  	s20 =	rddreg [dreg:$0x12];
	[sflag:s24] =	ssyncadd.s32 $0xFFFFD800  }
0x3a: {  	[spmem:s20] =	stream.linear.scatter [tilespmem:s6], [sflag:$0xD], $0x2800, $0x38;
	[tilespmem:$0x1E900] =	vst v63  }
0x3b: {  	_ =	swait.ge [sflag:s24], $0x2800  }
0x3c: {  	[sflag:s24] =	ssyncset.done $0x0  }
0x3d: {  	s10 =	rddreg [dreg:$0x13];
	[sflag:s24] =	ssyncadd.s32 $0xFFFFD800  }
0x3e: {  	[spmem:s10] =	stream.linear.scatter [tilespmem:s6], [sflag:$0xD], $0x2800, $0x38;
	[tilespmem:$0x1E900] =	vst v63  }
0x3f: {  	_ =	swait.ge [sflag:s24], $0x2800  }
0x40: {  	[sflag:s24] =	ssyncset.done $0x0  }
0x41: {  	s12 =	rddreg [dreg:$0x14];
	[sflag:s24] =	ssyncadd.s32 $0xFFFFD800  }
0x42: {  	[spmem:s12] =	stream.linear.scatter [tilespmem:s6], [sflag:$0xD], $0x2800, $0x38;
	[tilespmem:$0x1E900] =	vst v63  }
0x43: {  	_ =	swait.ge [sflag:s24], $0x2800  }
0x44: {  	[sflag:s24] =	ssyncset.done $0x0  }
0x45: {  	s20 =	rddreg [dreg:$0x15];
	[sflag:s24] =	ssyncadd.s32 $0xFFFFD800  }
0x46: {  	[spmem:s20] =	stream.linear.scatter [tilespmem:s6], [sflag:$0xD], $0x2800, $0x38;
	[tilespmem:$0x1E900] =	vst v63  }
0x47: {  	_ =	swait.ge [sflag:s24], $0x2800  }
0x48: {  	[sflag:s24] =	ssyncset.done $0x0  }
0x49: {  	s10 =	rddreg [dreg:$0x16];
	[sflag:s24] =	ssyncadd.s32 $0xFFFFD800  }
0x4a: {  	[spmem:s10] =	stream.linear.scatter [tilespmem:s6], [sflag:$0xD], $0x2800, $0x38;
	[tilespmem:$0x1E900] =	vst v63  }
0x4b: {  	_ =	swait.ge [sflag:s24], $0x2800  }
0x4c: {  	[sflag:s24] =	ssyncset.done $0x0  }
0x4d: {  	s12 =	rddreg [dreg:$0x17];
	[sflag:s24] =	ssyncadd.s32 $0xFFFFD800  }
0x4e: {  	[spmem:s12] =	stream.linear.scatter [tilespmem:s6], [sflag:$0xD], $0x2800, $0x38;
	[tilespmem:$0x1E900] =	vst v63  }
0x4f: {  	_ =	swait.ge [sflag:s24], $0x2800  }
0x50: {  	[sflag:s24] =	ssyncset.done $0x0  }
0x51: {  	[sflag:s24] =	ssyncadd.s32 $0xFFFFD800  }
0x52: {  	[spmem:s23] =	stream.linear.scatter [tilespmem:s6], [sflag:$0xD], $0x80, $0x38;
	[tilespmem:$0x1E900] =	vst v63  }
0x53: {  	_ =	swait.ge [sflag:s24], $0x80  }
0x54: {  	[sflag:s24] =	ssyncset.done $0x0  }
0x55: {  	s20 =	rddreg [dreg:$0x18];
	[sflag:s24] =	ssyncadd.s32 $0xFFFFFF80  }
0x56: {  	[spmem:s20] =	stream.linear.scatter [tilespmem:s6], [sflag:$0xD], $0x80, $0x38;
	[tilespmem:$0x1E900] =	vst v63  }
0x57: {  	_ =	swait.ge [sflag:s24], $0x80  }
0x58: {  	[sflag:s24] =	ssyncset.done $0x0  }
0x59: {  	s23 =	rddreg [dreg:$0x19];
	[sflag:s24] =	ssyncadd.s32 $0xFFFFFF80  }
0x5a: {  	[spmem:s23] =	stream.linear.scatter [tilespmem:s6], [sflag:$0xD], $0x80, $0x38;
	[tilespmem:$0x1E900] =	vst v63  }
0x5b: {  	_ =	swait.ge [sflag:s24], $0x80  }
0x5c: {  	[sflag:s24] =	ssyncset.done $0x0  }
0x5d: {  	s10 =	rddreg [dreg:$0x1a];
	[sflag:s24] =	ssyncadd.s32 $0xFFFFFF80  }
0x5e: {  	[spmem:s10] =	stream.linear.scatter [tilespmem:s6], [sflag:$0xD], $0x80, $0x38;
	[tilespmem:$0x1E900] =	vst v63  }
0x5f: {  	_ =	swait.ge [sflag:s24], $0x80  }
0x60: {  	[sflag:s24] =	ssyncset.done $0x0  }
0x61: {  	s12 =	rddreg [dreg:$0x1b];
	[sflag:s24] =	ssyncadd.s32 $0xFFFFFF80  }
0x62: {  	[spmem:s12] =	stream.linear.scatter [tilespmem:s6], [sflag:$0xD], $0x80, $0x38;
	[tilespmem:$0x1E900] =	vst v63  }
0x63: {  	_ =	swait.ge [sflag:s24], $0x80  }
0x64: {  	[sflag:s24] =	ssyncset.done $0x0  }
0x65: {  	[sflag:s24] =	ssyncadd.s32 $0xFFFFFF80  }
0x66: {  	[tilespmem:$0xA600] =	vst v1  }
0x67: {  	[tilespmem:$0xA610] =	vst v1  }
0x68: {  	[tilespmem:$0xA620] =	vst v1  }
0x69: {  	[tilespmem:$0xA630] =	vst v1  }
0x6a: {  	s31 =	simm.s32 $0x0;
	s20 =	rddreg [dreg:$0x6];
	[tilespmem:$0xA640] =	vst v1  }
0x6b: {  	[tilespmem:s31], [sflag:$0x1] =	stream.linear.gather [hbm4b:s20+s31], $0x50, $0x38;
	[tilespmem:$0x1E900] =	vst v63  }
0x6c: {  	s23 =	rddreg [dreg:$0x7];
	s24 =	simm.s32 $0x200  }
0x6d: {  	[tilespmem:s24], [sflag:$0x1] =	stream.linear.gather [hbm4b:s23+s31], $0x80, $0x38;
	[tilespmem:$0x1E900] =	vst v63  }
0x6e: {  	s10 =	rddreg [dreg:$0x8]  }
0x6f: {  	[tilespmem:s14], [sflag:$0x1] =	stream.linear.gather [hbm4b:s10+s31], $0x50, $0x38;
	[tilespmem:$0x1E900] =	vst v63  }
0x70: {  	s12 =	rddreg [dreg:$0x9];
	s20 =	simm.s32 $0x80  }
0x71: {  	[tilespmem:s20], [sflag:$0x2] =	stream.linear.gather [hbm4b:s12+s31], $0x50, $0x38;
	[tilespmem:$0x1E900] =	vst v63  }
0x72: {  	s23 =	rddreg [dreg:$0xa]  }
0x73: {  	[tilespmem:s13], [sflag:$0x2] =	stream.linear.gather [hbm4b:s23+s31], $0x80, $0x38;
	[tilespmem:$0x1E900] =	vst v63  }
0x74: {  	s24 =	rddreg [dreg:$0xb]  }
0x75: {  	[tilespmem:s17], [sflag:$0x2] =	stream.linear.gather [hbm4b:s24+s31], $0x50, $0x38;
	[tilespmem:$0x1E900] =	vst v63  }
0x76: {  	_ =	swait.ge [sflag:s19], $0x50  }
0x77: {  	[sflag:s19] =	ssyncset.done $0x0  }
0x78: {  	[sflag:s19] =	ssyncadd.s32 $0xFFFFFFB0  }
0x79: {  	_ =	swait.ge [sflag:s19], $0x80  }
0x7a: {  	[sflag:s19] =	ssyncset.done $0x0  }
0x7b: {  	[sflag:s19] =	ssyncadd.s32 $0xFFFFFF80  }
0x7c: {  	_ =	swait.ge [sflag:s19], $0x50  }
0x7d: {  	[sflag:s19] =	ssyncset.done $0x0  }
0x7e: {  	[sflag:s19] =	ssyncadd.s32 $0xFFFFFFB0  }
0x7f: {  	[tilespmem:s6], [sflag:$0x5] =	stream.indirect.gather [hbm4b:s1+s21], $0x80, s31, s21, $0xb8;
	[tilespmem:$0x1E900] =	vst v63  }
0x80: {  	s5 =	simm.s32 $0x0;
	[bflag:$0x0] =	sbarrier.arrive $0xFFFF  }
.LBB2_4:
0x81: {  	_ =	swait.ge [sflag:s22], $0x50  }
0x82: {  	[sflag:s22] =	ssyncset.done $0x0  }
0x83: {  	[sflag:s22] =	ssyncadd.s32 $0xFFFFFFB0  }
0x84: {  	_ =	swait.ge [sflag:s22], $0x80  }
0x85: {  	[sflag:s22] =	ssyncset.done $0x0  }
0x86: {  	[sflag:s22] =	ssyncadd.s32 $0xFFFFFF80  }
0x87: {  	_ =	swait.ge [sflag:s22], $0x50  }
0x88: {  	s10 =	sshll.u32 s5, $0x2;
	p0 =	seq.s32 s5, $0x0;
	[sflag:s22] =	ssyncset.done $0x0  }
0x89: {  	s6 =	simm.s32 @!p0 $0xB;
	s12 =	sor.u32 @!p0 $0x2, s10;
	[sflag:s22] =	ssyncadd.s32 $0xFFFFFFB0  }
0x8a: {  	s12 =	simm.s32 @p0 $0x2;
	_ =	swait.ge @!p0 [sflag:s6], $0x2800  }
0x8b: {  	s20 =	smul.u32 $0x50, s12;
	[sflag:s6] =	ssyncset.done @!p0 $0x0  }
0x8c: {  	[sflag:s6] =	ssyncadd.s32 @!p0 $0xFFFFD800  }
0x8d: {  	s20 =	sadd.s32 s9, s20;
	_ =	swait.ge @!p0 [sflag:s6], $0x50  }
0x8e: {  	s20 =	sshrl.u32 s20, $0x3;
	[sflag:s6] =	ssyncset.done @!p0 $0x0  }
0x8f: {  	s13 =	simm.s32 $0x100;
	s24 =	sadd.s32 s7, s20;
	[sflag:s6] =	ssyncadd.s32 @!p0 $0xFFFFFFB0  }
0x90: {  	[tilespmem:s13], [sflag:$0x3] =	stream.linear.gather [hbm4b:s24+s31], $0x50, $0x38;
	[tilespmem:$0x1E900] =	vst v63  }
0x91: {  	s12 =	sshll.u32 s12, $0x7;
	s13 =	sshll.u32 s5, $0x9  }
0x92: {  	s24 =	sand.u32 $0x300, s12;
	s6 =	sand.u32 $0x3C00, s13  }
0x93: {  	s12 =	sor.u32 s24, s6  }
0x94: {  	s12 =	sor.u32 s11, s12  }
0x95: {  	s12 =	sshrl.u32 s12, $0x3  }
0x96: {  	s12 =	sadd.s32 s2, s12  }
0x97: {  	[tilespmem:s16], [sflag:$0x3] =	stream.linear.gather [hbm4b:s12+s31], $0x80, $0x38;
	[tilespmem:$0x1E900] =	vst v63  }
0x98: {  	s16 =	sadd.s32 s8, s20  }
0x99: {  	[tilespmem:s25], [sflag:$0x3] =	stream.linear.gather [hbm4b:s16+s31], $0x50, $0x38;
	[tilespmem:$0x1E900] =	vst v63  }
0x9a: {  	s23 =	simm.s32 $0x2E00;
	s24 =	simm.s32 $0x5;
	s20 =	simm.s32 $0x80  }
0x9b: {  	[tilespmem:s23], [sflag:$0x6] =	stream.indirect.gather [hbm4b:s1+s21], $0x80, s20, s21, $0xb8;
	[tilespmem:$0x1E900] =	vst v63  }
0x9c: {  	_ =	swait.ge [sflag:s24], $0x2800  }
0x9d: {  	v2 =	vmov s31;
	[sflag:s24] =	ssyncset.done $0x0  }
0x9e: {  	[sflag:s24] =	ssyncadd.s32 $0xFFFFD800;
	s24 =	simm.s32 $0x640  }
0x9f: {  	v6 =	vld [tilespmem:s24+$0x30]  }
0xa0: {  	v9 =	vld [tilespmem:s24+$0x10]  }
0xa1: {  	v7 =	vld [tilespmem:s24+$0xFFFFFFC0]  }
0xa2: {  	v3 =	vld.idx.msk [tilespmem:v2+s14+$0x0], $0xffff  }
0xa3: {  	v11 =	vld [tilespmem:s24+$0xFFFFFFE0]  }
0xa4: {  	v2 =	vld [tilespmem:s24+$0xFFFFFFF0]  }
0xa5: {  	v4 =	vld [tilespmem:s24+$0x20]  }
0xa6: {  	v5 =	vld [tilespmem:s24+$0xFFFFFFD0]  }
0xa7: {  	v10 =	vmul.f32 v6, v3;
	v6 =	vld [tilespmem:s24+$0x0]  }
0xa8: {  	v8 =	vmul.f32 v7, v3  }
0xa9: {  	s12 =	simm.s32 $0x1;
	s20 =	simm.s32 $0x640;
	v7 =	vmul.f32 v11, v3;
	v9 =	vmul.f32 v9, v3  }
.LBB2_5:
0xaa: {  	p1 =	sne.s32 s12, $0x4F  }
0xab: {  	v5 =	vmul.f32 v5, v3;
	v4 =	vmul.f32 v4, v3;
	[tilespmem:s24+$0x30] =	vst v10;
	s20 =	sadd.s32 $0x80, s20;
	s23 =	smov.u32 s12;
	s12 =	sadd.s32 $0x1, s12  }
0xac: {  	[tilespmem:s24+$0xFFFFFFC0] =	vst v8;
	v8 =	vmul.f32 v2, v3;
	v3 =	vmul.f32 v6, v3  }
0xad: {  	[tilespmem:s24+$0x10] =	vst v9  }
0xae: {  	v6 =	vmov s23;
	[tilespmem:s24+$0xFFFFFFE0] =	vst v7  }
0xaf: {  	v2 =	vld [tilespmem:s20+$0xFFFFFFF0];
	[tilespmem:s24+$0xFFFFFFF0] =	vst v8  }
0xb0: {  	v7 =	vld [tilespmem:s20+$0x30];
	[tilespmem:s24+$0x0] =	vst v3  }
0xb1: {  	v9 =	vld [tilespmem:s20+$0x10];
	[tilespmem:s24+$0x20] =	vst v4  }
0xb2: {  	v8 =	vld [tilespmem:s20+$0xFFFFFFC0];
	[tilespmem:s24+$0xFFFFFFD0] =	vst v5;
	s24 =	smov.u32 s20  }
0xb3: {  	v3 =	vld.idx.msk [tilespmem:v6+s14+$0x0], $0xffff  }
0xb4: {  	v11 =	vld [tilespmem:s20+$0xFFFFFFE0]  }
0xb5: {  	v4 =	vld [tilespmem:s20+$0x20]  }
.Ltmp1:
0xb6: {  	v5 =	vld [tilespmem:s20+$0xFFFFFFD0];
	(pc) =	sbr.rel @p1 .LBB2_5-.Ltmp1, $3  }
0xb7: {  	v6 =	vld [tilespmem:s20+$0x0];
	_ =	sdelay $0x1  }
0xb8: {  	v8 =	vmul.f32 v8, v3;
	v10 =	vmul.f32 v7, v3  }
0xb9: {  	v9 =	vmul.f32 v9, v3;
	v7 =	vmul.f32 v11, v3  }
0xba: {  	[tilespmem:s24+$0x30] =	vst v10  }
0xbb: {  	[tilespmem:s24+$0xFFFFFFC0] =	vst v8  }
0xbc: {  	v2 =	vmul.f32 v2, v3;
	[tilespmem:s24+$0x10] =	vst v9  }
0xbd: {  	v4 =	vmul.f32 v4, v3;
	[tilespmem:s24+$0xFFFFFFE0] =	vst v7  }
0xbe: {  	v6 =	vmul.f32 v6, v3;
	[tilespmem:s24+$0xFFFFFFF0] =	vst v2  }
0xbf: {  	v2 =	vmul.f32 v5, v3;
	[tilespmem:s24+$0x20] =	vst v4  }
0xc0: {  	[tilespmem:s24+$0x0] =	vst v6  }
0xc1: {  	s12 =	simm.s32 $0x600;
	s13 =	simm.s32 $0x200;
	[tilespmem:s24+$0xFFFFFFD0] =	vst v2  }
0xc2: {  	[spmem:s3] =	stream.indirect.scatter.add.f32 [tilespmem:s12], [sflag:$0x9], $0x80, s13, s21, $0xb8;
	[tilespmem:$0x1E900] =	vst v63  }
0xc3: {  	_ = 	snop  }
0xc4: {  	[spmem:s4] =	stream.indirect.scatter.add.f32 [tilespmem:s29], [sflag:$0x9], $0x1, s13, s21, $0xb8;
	[tilespmem:$0x1E900] =	vst v63  }
0xc5: {  	_ =	swait.ge [sflag:s30], $0x50  }
0xc6: {  	[sflag:s30] =	ssyncset.done $0x0  }
0xc7: {  	[sflag:s30] =	ssyncadd.s32 $0xFFFFFFB0  }
0xc8: {  	_ =	swait.ge [sflag:s30], $0x80  }
0xc9: {  	[sflag:s30] =	ssyncset.done $0x0  }
0xca: {  	[sflag:s30] =	ssyncadd.s32 $0xFFFFFF80  }
0xcb: {  	_ =	swait.ge [sflag:s30], $0x50  }
0xcc: {  	[sflag:s30] =	ssyncset.done $0x0  }
0xcd: {  	s20 =	sor.u32 @!p0 $0x3, s10;
	s12 =	simm.s32 @!p0 $0xC;
	[sflag:s30] =	ssyncadd.s32 $0xFFFFFFB0  }
0xce: {  	s20 =	simm.s32 @p0 $0x3;
	_ =	swait.ge @!p0 [sflag:s12], $0x2800  }
0xcf: {  	s23 =	smul.u32 $0x50, s20;
	[sflag:s12] =	ssyncset.done @!p0 $0x0  }
0xd0: {  	[sflag:s12] =	ssyncadd.s32 @!p0 $0xFFFFD800  }
0xd1: {  	s20 =	sshll.u32 s20, $0x7;
	s23 =	sadd.s32 s9, s23;
	_ =	swait.ge @!p0 [sflag:s12], $0x50  }
0xd2: {  	s24 =	simm.s32 $0x0;
	s23 =	sshrl.u32 s23, $0x3;
	[sflag:s12] =	ssyncset.done @!p0 $0x0  }
0xd3: {  	s13 =	simm.s32 $0x180;
	[sflag:s12] =	ssyncadd.s32 @!p0 $0xFFFFFFB0;
	s12 =	sadd.s32 s7, s23  }
0xd4: {  	[tilespmem:s13], [sflag:$0x4] =	stream.linear.gather [hbm4b:s12+s24], $0x50, $0x38;
	[tilespmem:$0x1E900] =	vst v63  }
0xd5: {  	s12 =	sand.u32 $0x380, s20  }
0xd6: {  	s6 =	sor.u32 s12, s6  }
0xd7: {  	s6 =	sor.u32 s11, s6  }
0xd8: {  	s6 =	sshrl.u32 s6, $0x3  }
0xd9: {  	s6 =	sadd.s32 s2, s6  }
0xda: {  	[tilespmem:s28], [sflag:$0x4] =	stream.linear.gather [hbm4b:s6+s24], $0x80, $0x38;
	[tilespmem:$0x1E900] =	vst v63  }
0xdb: {  	s13 =	sadd.s32 s8, s23  }
0xdc: {  	[tilespmem:s0], [sflag:$0x4] =	stream.linear.gather [hbm4b:s13+s24], $0x50, $0x38;
	[tilespmem:$0x1E900] =	vst v63  }
0xdd: {  	s20 =	simm.s32 $0x100;
	s23 =	simm.s32 $0x5600;
	s28 =	simm.s32 $0x6  }
0xde: {  	[tilespmem:s23], [sflag:$0x7] =	stream.indirect.gather [hbm4b:s1+s21], $0x80, s20, s21, $0xb8;
	[tilespmem:$0x1E900] =	vst v63  }
0xdf: {  	_ =	swait.ge [sflag:s28], $0x2800  }
0xe0: {  	v2 =	vmov s24;
	[sflag:s28] =	ssyncset.done $0x0  }
0xe1: {  	s6 =	simm.s32 $0x2E40;
	[sflag:s28] =	ssyncadd.s32 $0xFFFFD800  }
0xe2: {  	v6 =	vld [tilespmem:s6+$0x30]  }
0xe3: {  	v9 =	vld [tilespmem:s6+$0x10]  }
0xe4: {  	v7 =	vld [tilespmem:s6+$0xFFFFFFC0]  }
0xe5: {  	v3 =	vld.idx.msk [tilespmem:v2+s17+$0x0], $0xffff  }
0xe6: {  	v11 =	vld [tilespmem:s6+$0xFFFFFFE0]  }
0xe7: {  	v2 =	vld [tilespmem:s6+$0xFFFFFFF0]  }
0xe8: {  	v4 =	vld [tilespmem:s6+$0x20]  }
0xe9: {  	v5 =	vld [tilespmem:s6+$0xFFFFFFD0]  }
0xea: {  	v10 =	vmul.f32 v6, v3;
	v6 =	vld [tilespmem:s6+$0x0]  }
0xeb: {  	v8 =	vmul.f32 v7, v3  }
0xec: {  	s16 =	simm.s32 $0x200;
	s12 =	simm.s32 $0x1;
	s20 =	simm.s32 $0x2E40;
	v7 =	vmul.f32 v11, v3;
	v9 =	vmul.f32 v9, v3  }
.LBB2_7:
0xed: {  	p0 =	sne.s32 s12, $0x4F  }
0xee: {  	v5 =	vmul.f32 v5, v3;
	v4 =	vmul.f32 v4, v3;
	[tilespmem:s6+$0x30] =	vst v10;
	s20 =	sadd.s32 $0x80, s20;
	s23 =	smov.u32 s12;
	s12 =	sadd.s32 $0x1, s12  }
0xef: {  	[tilespmem:s6+$0xFFFFFFC0] =	vst v8;
	v8 =	vmul.f32 v2, v3;
	v3 =	vmul.f32 v6, v3  }
0xf0: {  	[tilespmem:s6+$0x10] =	vst v9  }
0xf1: {  	v6 =	vmov s23;
	[tilespmem:s6+$0xFFFFFFE0] =	vst v7  }
0xf2: {  	v2 =	vld [tilespmem:s20+$0xFFFFFFF0];
	[tilespmem:s6+$0xFFFFFFF0] =	vst v8  }
0xf3: {  	v7 =	vld [tilespmem:s20+$0x30];
	[tilespmem:s6+$0x0] =	vst v3  }
0xf4: {  	v9 =	vld [tilespmem:s20+$0x10];
	[tilespmem:s6+$0x20] =	vst v4  }
0xf5: {  	v8 =	vld [tilespmem:s20+$0xFFFFFFC0];
	[tilespmem:s6+$0xFFFFFFD0] =	vst v5;
	s6 =	smov.u32 s20  }
0xf6: {  	v3 =	vld.idx.msk [tilespmem:v6+s17+$0x0], $0xffff  }
0xf7: {  	v11 =	vld [tilespmem:s20+$0xFFFFFFE0]  }
0xf8: {  	v4 =	vld [tilespmem:s20+$0x20]  }
.Ltmp2:
0xf9: {  	v5 =	vld [tilespmem:s20+$0xFFFFFFD0];
	(pc) =	sbr.rel @p0 .LBB2_7-.Ltmp2, $3  }
0xfa: {  	v6 =	vld [tilespmem:s20+$0x0];
	_ =	sdelay $0x1  }
0xfb: {  	v8 =	vmul.f32 v8, v3;
	v10 =	vmul.f32 v7, v3  }
0xfc: {  	v9 =	vmul.f32 v9, v3;
	v7 =	vmul.f32 v11, v3  }
0xfd: {  	[tilespmem:s6+$0x30] =	vst v10  }
0xfe: {  	[tilespmem:s6+$0xFFFFFFC0] =	vst v8  }
0xff: {  	v2 =	vmul.f32 v2, v3;
	[tilespmem:s6+$0x10] =	vst v9  }
0x100: {  	v4 =	vmul.f32 v4, v3;
	[tilespmem:s6+$0xFFFFFFE0] =	vst v7  }
0x101: {  	v6 =	vmul.f32 v6, v3;
	[tilespmem:s6+$0xFFFFFFF0] =	vst v2  }
0x102: {  	v2 =	vmul.f32 v5, v3;
	[tilespmem:s6+$0x20] =	vst v4  }
0x103: {  	[tilespmem:s6+$0x0] =	vst v6  }
0x104: {  	s24 =	simm.s32 $0x280;
	s12 =	simm.s32 $0x2E00;
	[tilespmem:s6+$0xFFFFFFD0] =	vst v2  }
0x105: {  	[spmem:s3] =	stream.indirect.scatter.add.f32 [tilespmem:s12], [sflag:$0xA], $0x80, s24, s21, $0xb8;
	[tilespmem:$0x1E900] =	vst v63  }
0x106: {  	_ = 	snop  }
0x107: {  	[spmem:s4] =	stream.indirect.scatter.add.f32 [tilespmem:s29], [sflag:$0xA], $0x1, s24, s21, $0xb8;
	[tilespmem:$0x1E900] =	vst v63  }
0x108: {  	_ =	swait.ge [sflag:s18], $0x50  }
0x109: {  	[sflag:s18] =	ssyncset.done $0x0  }
0x10a: {  	[sflag:s18] =	ssyncadd.s32 $0xFFFFFFB0  }
0x10b: {  	_ =	swait.ge [sflag:s18], $0x80  }
0x10c: {  	[sflag:s18] =	ssyncset.done $0x0  }
0x10d: {  	[sflag:s18] =	ssyncadd.s32 $0xFFFFFF80  }
0x10e: {  	_ =	swait.ge [sflag:s18], $0x50  }
0x10f: {  	[sflag:s18] =	ssyncset.done $0x0  }
0x110: {  	[sflag:s18] =	ssyncadd.s32 $0xFFFFFFB0  }
0x111: {  	s28 =	sadd.s32 $0x4, s10;
	_ =	swait.ge [sflag:s15], $0x2800  }
0x112: {  	s24 =	smul.u32 $0x50, s28;
	[sflag:s15] =	ssyncset.done $0x0  }
0x113: {  	[sflag:s15] =	ssyncadd.s32 $0xFFFFD800  }
0x114: {  	s23 =	simm.s32 $0x0;
	s12 =	sadd.s32 s9, s24;
	_ =	swait.ge [sflag:s15], $0x50  }
0x115: {  	s6 =	sshll.u32 s28, $0x7;
	s12 =	sshrl.u32 s12, $0x3;
	[sflag:s15] =	ssyncset.done $0x0  }
0x116: {  	s28 =	sand.u32 $0x7C00, s6;
	s20 =	sadd.s32 s7, s12;
	[sflag:s15] =	ssyncadd.s32 $0xFFFFFFB0  }
0x117: {  	[tilespmem:s23], [sflag:$0x1] =	stream.linear.gather [hbm4b:s20+s23], $0x50, $0x38;
	[tilespmem:$0x1E900] =	vst v63  }
0x118: {  	s6 =	sand.u32 $0x200, s6;
	s20 =	sadd.s32 s11, s28  }
0x119: {  	s6 =	sor.u32 s6, s20  }
0x11a: {  	s6 =	sshrl.u32 s6, $0x3  }
0x11b: {  	s6 =	sadd.s32 s2, s6  }
0x11c: {  	[tilespmem:s16], [sflag:$0x1] =	stream.linear.gather [hbm4b:s6+s23], $0x80, $0x38;
	[tilespmem:$0x1E900] =	vst v63  }
0x11d: {  	s16 =	sadd.s32 s8, s12  }
0x11e: {  	[tilespmem:s14], [sflag:$0x1] =	stream.linear.gather [hbm4b:s16+s23], $0x50, $0x38;
	[tilespmem:$0x1E900] =	vst v63  }
0x11f: {  	s24 =	simm.s32 $0x7E00;
	s28 =	simm.s32 $0x7;
	s20 =	simm.s32 $0x180  }
0x120: {  	[tilespmem:s24], [sflag:$0x8] =	stream.indirect.gather [hbm4b:s1+s21], $0x80, s20, s21, $0xb8;
	[tilespmem:$0x1E900] =	vst v63  }
0x121: {  	_ =	swait.ge [sflag:s28], $0x2800  }
0x122: {  	v2 =	vmov s23;
	[sflag:s28] =	ssyncset.done $0x0  }
0x123: {  	s6 =	simm.s32 $0x5640;
	[sflag:s28] =	ssyncadd.s32 $0xFFFFD800  }
0x124: {  	v6 =	vld [tilespmem:s6+$0x30]  }
0x125: {  	v9 =	vld [tilespmem:s6+$0x10]  }
0x126: {  	v7 =	vld [tilespmem:s6+$0xFFFFFFC0]  }
0x127: {  	v3 =	vld.idx.msk [tilespmem:v2+s25+$0x0], $0xffff  }
0x128: {  	v11 =	vld [tilespmem:s6+$0xFFFFFFE0]  }
0x129: {  	v2 =	vld [tilespmem:s6+$0xFFFFFFF0]  }
0x12a: {  	v4 =	vld [tilespmem:s6+$0x20]  }
0x12b: {  	v5 =	vld [tilespmem:s6+$0xFFFFFFD0]  }
0x12c: {  	v10 =	vmul.f32 v6, v3;
	v6 =	vld [tilespmem:s6+$0x0]  }
0x12d: {  	v8 =	vmul.f32 v7, v3  }
0x12e: {  	s13 =	simm.s32 $0x280;
	s12 =	simm.s32 $0x1;
	s20 =	simm.s32 $0x5640;
	v7 =	vmul.f32 v11, v3;
	v9 =	vmul.f32 v9, v3  }
.LBB2_9:
0x12f: {  	p0 =	sne.s32 s12, $0x4F  }
0x130: {  	v5 =	vmul.f32 v5, v3;
	v4 =	vmul.f32 v4, v3;
	[tilespmem:s6+$0x30] =	vst v10;
	s20 =	sadd.s32 $0x80, s20;
	s23 =	smov.u32 s12;
	s12 =	sadd.s32 $0x1, s12  }
0x131: {  	[tilespmem:s6+$0xFFFFFFC0] =	vst v8;
	v8 =	vmul.f32 v2, v3;
	v3 =	vmul.f32 v6, v3  }
0x132: {  	[tilespmem:s6+$0x10] =	vst v9  }
0x133: {  	v6 =	vmov s23;
	[tilespmem:s6+$0xFFFFFFE0] =	vst v7  }
0x134: {  	v2 =	vld [tilespmem:s20+$0xFFFFFFF0];
	[tilespmem:s6+$0xFFFFFFF0] =	vst v8  }
0x135: {  	v7 =	vld [tilespmem:s20+$0x30];
	[tilespmem:s6+$0x0] =	vst v3  }
0x136: {  	v9 =	vld [tilespmem:s20+$0x10];
	[tilespmem:s6+$0x20] =	vst v4  }
0x137: {  	v8 =	vld [tilespmem:s20+$0xFFFFFFC0];
	[tilespmem:s6+$0xFFFFFFD0] =	vst v5;
	s6 =	smov.u32 s20  }
0x138: {  	v3 =	vld.idx.msk [tilespmem:v6+s25+$0x0], $0xffff  }
0x139: {  	v11 =	vld [tilespmem:s20+$0xFFFFFFE0]  }
0x13a: {  	v4 =	vld [tilespmem:s20+$0x20]  }
.Ltmp3:
0x13b: {  	v5 =	vld [tilespmem:s20+$0xFFFFFFD0];
	(pc) =	sbr.rel @p0 .LBB2_9-.Ltmp3, $3  }
0x13c: {  	v6 =	vld [tilespmem:s20+$0x0];
	_ =	sdelay $0x1  }
0x13d: {  	v8 =	vmul.f32 v8, v3;
	v10 =	vmul.f32 v7, v3  }
0x13e: {  	v9 =	vmul.f32 v9, v3;
	v7 =	vmul.f32 v11, v3  }
0x13f: {  	[tilespmem:s6+$0x30] =	vst v10  }
0x140: {  	[tilespmem:s6+$0xFFFFFFC0] =	vst v8  }
0x141: {  	v2 =	vmul.f32 v2, v3;
	[tilespmem:s6+$0x10] =	vst v9  }
0x142: {  	v4 =	vmul.f32 v4, v3;
	[tilespmem:s6+$0xFFFFFFE0] =	vst v7  }
0x143: {  	v6 =	vmul.f32 v6, v3;
	[tilespmem:s6+$0xFFFFFFF0] =	vst v2  }
0x144: {  	v2 =	vmul.f32 v5, v3;
	[tilespmem:s6+$0x20] =	vst v4  }
0x145: {  	[tilespmem:s6+$0x0] =	vst v6  }
0x146: {  	s20 =	simm.s32 $0x300;
	s12 =	simm.s32 $0x5600;
	[tilespmem:s6+$0xFFFFFFD0] =	vst v2  }
0x147: {  	[spmem:s3] =	stream.indirect.scatter.add.f32 [tilespmem:s12], [sflag:$0xB], $0x80, s20, s21, $0xb8;
	[tilespmem:$0x1E900] =	vst v63  }
0x148: {  	_ = 	snop  }
0x149: {  	[spmem:s4] =	stream.indirect.scatter.add.f32 [tilespmem:s29], [sflag:$0xB], $0x1, s20, s21, $0xb8;
	[tilespmem:$0x1E900] =	vst v63  }
0x14a: {  	_ =	swait.ge [sflag:s19], $0x50  }
0x14b: {  	[sflag:s19] =	ssyncset.done $0x0  }
0x14c: {  	[sflag:s19] =	ssyncadd.s32 $0xFFFFFFB0  }
0x14d: {  	_ =	swait.ge [sflag:s19], $0x80  }
0x14e: {  	[sflag:s19] =	ssyncset.done $0x0  }
0x14f: {  	[sflag:s19] =	ssyncadd.s32 $0xFFFFFF80  }
0x150: {  	_ =	swait.ge [sflag:s19], $0x50  }
0x151: {  	[sflag:s19] =	ssyncset.done $0x0  }
0x152: {  	p0 =	seq.s32 s5, $0x1E;
	[sflag:s19] =	ssyncadd.s32 $0xFFFFFFB0  }
0x153: {  	s6 =	sadd.s32 @!p0 $0x5, s10;
	_ =	swait.ge [sflag:s26], $0x2800  }
0x154: {  	s10 =	smul.u32 @!p0 $0x50, s6;
	[sflag:s26] =	ssyncset.done $0x0  }
0x155: {  	[sflag:s26] =	ssyncadd.s32 $0xFFFFD800  }
0x156: {  	s23 =	simm.s32 @!p0 $0x80;
	s10 =	sadd.s32 @!p0 s9, s10;
	_ =	swait.ge [sflag:s26], $0x50  }
0x157: {  	s6 =	sshll.u32 @!p0 s6, $0x7;
	s10 =	sshrl.u32 @!p0 s10, $0x3;
	[sflag:s26] =	ssyncset.done $0x0  }
0x158: {  	s20 =	simm.s32 @!p0 $0x0;
	s12 =	sadd.s32 @!p0 s7, s10;
	[sflag:s26] =	ssyncadd.s32 $0xFFFFFFB0  }
0x159: {  	[tilespmem:s23], [sflag:$0x2] =	stream.linear.gather @!p0 [hbm4b:s12+s20], $0x50, $0x38;
	[tilespmem:$0x1E900] =	vst v63  }
0x15a: {  	s12 =	sand.u32 @!p0 $0x7C00, s6  }
0x15b: {  	s6 =	sand.u32 @!p0 $0x280, s6;
	s12 =	sadd.s32 @!p0 s11, s12  }
0x15c: {  	s6 =	sor.u32 @!p0 s6, s12  }
0x15d: {  	s6 =	sshrl.u32 @!p0 s6, $0x3  }
0x15e: {  	s12 =	simm.s32 @!p0 $0x280;
	s6 =	sadd.s32 @!p0 s2, s6  }
0x15f: {  	[tilespmem:s12], [sflag:$0x2] =	stream.linear.gather @!p0 [hbm4b:s6+s20], $0x80, $0x38;
	[tilespmem:$0x1E900] =	vst v63  }
0x160: {  	s6 =	sadd.s32 @!p0 s8, s10;
	s10 =	simm.s32 @!p0 $0x480  }
0x161: {  	[tilespmem:s10], [sflag:$0x2] =	stream.linear.gather @!p0 [hbm4b:s6+s20], $0x50, $0x38;
	[tilespmem:$0x1E900] =	vst v63  }
0x162: {  	s24 =	simm.s32 $0x600;
	s28 =	simm.s32 $0x8;
	s23 =	simm.s32 $0x0  }
0x163: {  	[tilespmem:s24], [sflag:$0x5] =	stream.indirect.gather [hbm4b:s1+s21], $0x80, s23, s21, $0xb8;
	[tilespmem:$0x1E900] =	vst v63  }
0x164: {  	_ =	swait.ge [sflag:s28], $0x2800  }
0x165: {  	v2 =	vmov s23;
	[sflag:s28] =	ssyncset.done $0x0  }
0x166: {  	s6 =	simm.s32 $0x7E40;
	[sflag:s28] =	ssyncadd.s32 $0xFFFFD800  }
0x167: {  	v6 =	vld [tilespmem:s6+$0x30]  }
0x168: {  	v9 =	vld [tilespmem:s6+$0x10]  }
0x169: {  	v7 =	vld [tilespmem:s6+$0xFFFFFFC0]  }
0x16a: {  	v3 =	vld.idx.msk [tilespmem:v2+s0+$0x0], $0xffff  }
0x16b: {  	v11 =	vld [tilespmem:s6+$0xFFFFFFE0]  }
0x16c: {  	v2 =	vld [tilespmem:s6+$0xFFFFFFF0]  }
0x16d: {  	v4 =	vld [tilespmem:s6+$0x20]  }
0x16e: {  	v5 =	vld [tilespmem:s6+$0xFFFFFFD0]  }
0x16f: {  	v10 =	vmul.f32 v6, v3;
	v6 =	vld [tilespmem:s6+$0x0]  }
0x170: {  	v8 =	vmul.f32 v7, v3  }
0x171: {  	s16 =	simm.s32 $0x300;
	s12 =	simm.s32 $0x7E40;
	s10 =	simm.s32 $0x1;
	v7 =	vmul.f32 v11, v3;
	v9 =	vmul.f32 v9, v3  }
.LBB2_11:
0x172: {  	p0 =	sne.s32 s10, $0x4F  }
0x173: {  	v5 =	vmul.f32 v5, v3;
	v4 =	vmul.f32 v4, v3;
	[tilespmem:s6+$0x30] =	vst v10;
	s12 =	sadd.s32 $0x80, s12;
	s20 =	smov.u32 s10;
	s10 =	sadd.s32 $0x1, s10  }
0x174: {  	[tilespmem:s6+$0xFFFFFFC0] =	vst v8;
	v8 =	vmul.f32 v2, v3;
	v3 =	vmul.f32 v6, v3  }
0x175: {  	[tilespmem:s6+$0x10] =	vst v9  }
0x176: {  	v6 =	vmov s20;
	[tilespmem:s6+$0xFFFFFFE0] =	vst v7  }
0x177: {  	v2 =	vld [tilespmem:s12+$0xFFFFFFF0];
	[tilespmem:s6+$0xFFFFFFF0] =	vst v8  }
0x178: {  	v7 =	vld [tilespmem:s12+$0x30];
	[tilespmem:s6+$0x0] =	vst v3  }
0x179: {  	v9 =	vld [tilespmem:s12+$0x10];
	[tilespmem:s6+$0x20] =	vst v4  }
0x17a: {  	v8 =	vld [tilespmem:s12+$0xFFFFFFC0];
	[tilespmem:s6+$0xFFFFFFD0] =	vst v5;
	s6 =	smov.u32 s12  }
0x17b: {  	v3 =	vld.idx.msk [tilespmem:v6+s0+$0x0], $0xffff  }
0x17c: {  	v11 =	vld [tilespmem:s12+$0xFFFFFFE0]  }
0x17d: {  	v4 =	vld [tilespmem:s12+$0x20]  }
.Ltmp4:
0x17e: {  	v5 =	vld [tilespmem:s12+$0xFFFFFFD0];
	(pc) =	sbr.rel @p0 .LBB2_11-.Ltmp4, $3  }
0x17f: {  	v6 =	vld [tilespmem:s12+$0x0];
	_ =	sdelay $0x1  }
0x180: {  	v8 =	vmul.f32 v8, v3;
	v10 =	vmul.f32 v7, v3  }
0x181: {  	v9 =	vmul.f32 v9, v3;
	v7 =	vmul.f32 v11, v3  }
0x182: {  	[tilespmem:s6+$0x30] =	vst v10  }
0x183: {  	[tilespmem:s6+$0xFFFFFFC0] =	vst v8  }
0x184: {  	v2 =	vmul.f32 v2, v3;
	[tilespmem:s6+$0x10] =	vst v9  }
0x185: {  	v4 =	vmul.f32 v4, v3;
	[tilespmem:s6+$0xFFFFFFE0] =	vst v7  }
0x186: {  	s5 =	sadd.s32 $0x1, s5;
	v6 =	vmul.f32 v6, v3;
	[tilespmem:s6+$0xFFFFFFF0] =	vst v2  }
0x187: {  	p0 =	sne.s32 s5, $0x1F;
	v2 =	vmul.f32 v5, v3;
	[tilespmem:s6+$0x20] =	vst v4  }
.Ltmp5:
0x188: {  	[tilespmem:s6+$0x0] =	vst v6;
	(pc) =	sbr.rel @p0 .LBB2_4-.Ltmp5, $4  }
0x189: {  	s24 =	simm.s32 $0x380;
	s10 =	simm.s32 $0x7E00;
	[tilespmem:s6+$0xFFFFFFD0] =	vst v2  }
0x18a: {  	[spmem:s3] =	stream.indirect.scatter.add.f32 [tilespmem:s10], [sflag:$0xC], $0x80, s24, s21, $0xb8;
	[tilespmem:$0x1E900] =	vst v63  }
0x18b: {  	s28 =	simm.s32 $0x380  }
0x18c: {  	[spmem:s4] =	stream.indirect.scatter.add.f32 [tilespmem:s29], [sflag:$0xC], $0x1, s24, s21, $0xb8;
	[tilespmem:$0x1E900] =	vst v63  }
0x18d: {  	s5 =	simm.s32 $0xB  }
0x18e: {  	_ =	swait.ge [sflag:s5], $0x2800  }
0x18f: {  	[sflag:s5] =	ssyncset.done $0x0  }
0x190: {  	[sflag:s5] =	ssyncadd.s32 $0xFFFFD800  }
0x191: {  	_ =	swait.ge [sflag:s5], $0x50  }
0x192: {  	[sflag:s5] =	ssyncset.done $0x0  }
0x193: {  	s6 =	simm.s32 $0x5;
	[sflag:s5] =	ssyncadd.s32 $0xFFFFFFB0  }
0x194: {  	s31 =	simm.s32 $0x0;
	_ =	swait.ge [sflag:s6], $0x2800  }
0x195: {  	v2 =	vmov s31;
	[sflag:s6] =	ssyncset.done $0x0  }
0x196: {  	s5 =	simm.s32 $0x640;
	[sflag:s6] =	ssyncadd.s32 $0xFFFFD800  }
0x197: {  	v6 =	vld [tilespmem:s5+$0x30]  }
0x198: {  	v9 =	vld [tilespmem:s5+$0x10]  }
0x199: {  	v7 =	vld [tilespmem:s5+$0xFFFFFFC0]  }
0x19a: {  	v3 =	vld.idx.msk [tilespmem:v2+s14+$0x0], $0xffff  }
0x19b: {  	v11 =	vld [tilespmem:s5+$0xFFFFFFE0]  }
0x19c: {  	v2 =	vld [tilespmem:s5+$0xFFFFFFF0]  }
0x19d: {  	v4 =	vld [tilespmem:s5+$0x20]  }
0x19e: {  	v5 =	vld [tilespmem:s5+$0xFFFFFFD0]  }
0x19f: {  	v10 =	vmul.f32 v6, v3;
	v6 =	vld [tilespmem:s5+$0x0]  }
0x1a0: {  	v8 =	vmul.f32 v7, v3  }
0x1a1: {  	s10 =	simm.s32 $0x640;
	s6 =	simm.s32 $0x1;
	v7 =	vmul.f32 v11, v3;
	v9 =	vmul.f32 v9, v3  }
.LBB2_14:
0x1a2: {  	p0 =	sne.s32 s6, $0x4F  }
0x1a3: {  	v5 =	vmul.f32 v5, v3;
	v4 =	vmul.f32 v4, v3;
	[tilespmem:s5+$0x30] =	vst v10;
	s10 =	sadd.s32 $0x80, s10;
	s12 =	smov.u32 s6;
	s6 =	sadd.s32 $0x1, s6  }
0x1a4: {  	[tilespmem:s5+$0xFFFFFFC0] =	vst v8;
	v8 =	vmul.f32 v2, v3;
	v3 =	vmul.f32 v6, v3  }
0x1a5: {  	[tilespmem:s5+$0x10] =	vst v9  }
0x1a6: {  	v6 =	vmov s12;
	[tilespmem:s5+$0xFFFFFFE0] =	vst v7  }
0x1a7: {  	v2 =	vld [tilespmem:s10+$0xFFFFFFF0];
	[tilespmem:s5+$0xFFFFFFF0] =	vst v8  }
0x1a8: {  	v7 =	vld [tilespmem:s10+$0x30];
	[tilespmem:s5+$0x0] =	vst v3  }
0x1a9: {  	v9 =	vld [tilespmem:s10+$0x10];
	[tilespmem:s5+$0x20] =	vst v4  }
0x1aa: {  	v8 =	vld [tilespmem:s10+$0xFFFFFFC0];
	[tilespmem:s5+$0xFFFFFFD0] =	vst v5;
	s5 =	smov.u32 s10  }
0x1ab: {  	v3 =	vld.idx.msk [tilespmem:v6+s14+$0x0], $0xffff  }
0x1ac: {  	v11 =	vld [tilespmem:s10+$0xFFFFFFE0]  }
0x1ad: {  	v4 =	vld [tilespmem:s10+$0x20]  }
.Ltmp6:
0x1ae: {  	v5 =	vld [tilespmem:s10+$0xFFFFFFD0];
	(pc) =	sbr.rel @p0 .LBB2_14-.Ltmp6, $3  }
0x1af: {  	v6 =	vld [tilespmem:s10+$0x0];
	_ =	sdelay $0x1  }
0x1b0: {  	v8 =	vmul.f32 v8, v3;
	v10 =	vmul.f32 v7, v3  }
0x1b1: {  	v9 =	vmul.f32 v9, v3;
	v7 =	vmul.f32 v11, v3  }
0x1b2: {  	[tilespmem:s5+$0x30] =	vst v10  }
0x1b3: {  	[tilespmem:s5+$0xFFFFFFC0] =	vst v8  }
0x1b4: {  	v2 =	vmul.f32 v2, v3;
	[tilespmem:s5+$0x10] =	vst v9  }
0x1b5: {  	v4 =	vmul.f32 v4, v3;
	[tilespmem:s5+$0xFFFFFFE0] =	vst v7  }
0x1b6: {  	v6 =	vmul.f32 v6, v3;
	[tilespmem:s5+$0xFFFFFFF0] =	vst v2  }
0x1b7: {  	v2 =	vmul.f32 v5, v3;
	[tilespmem:s5+$0x20] =	vst v4  }
0x1b8: {  	[tilespmem:s5+$0x0] =	vst v6  }
0x1b9: {  	s20 =	simm.s32 $0x600;
	s6 =	simm.s32 $0x200;
	[tilespmem:s5+$0xFFFFFFD0] =	vst v2  }
0x1ba: {  	[spmem:s3] =	stream.indirect.scatter.add.f32 [tilespmem:s20], [sflag:$0x9], $0x80, s6, s21, $0xb8;
	[tilespmem:$0x1E900] =	vst v63  }
0x1bb: {  	s23 =	simm.s32 $0xC  }
0x1bc: {  	[spmem:s4] =	stream.indirect.scatter.add.f32 [tilespmem:s29], [sflag:$0x9], $0x1, s6, s21, $0xb8;
	[tilespmem:$0x1E900] =	vst v63  }
0x1bd: {  	_ =	swait.ge [sflag:s23], $0x2800  }
0x1be: {  	[sflag:s23] =	ssyncset.done $0x0  }
0x1bf: {  	[sflag:s23] =	ssyncadd.s32 $0xFFFFD800  }
0x1c0: {  	_ =	swait.ge [sflag:s23], $0x50  }
0x1c1: {  	[sflag:s23] =	ssyncset.done $0x0  }
0x1c2: {  	[sflag:s23] =	ssyncadd.s32 $0xFFFFFFB0  }
0x1c3: {  	_ =	swait.ge [sflag:s15], $0x2800  }
0x1c4: {  	[sflag:s15] =	ssyncset.done $0x0  }
0x1c5: {  	[sflag:s15] =	ssyncadd.s32 $0xFFFFD800  }
0x1c6: {  	_ =	swait.ge [sflag:s15], $0x50  }
0x1c7: {  	[sflag:s15] =	ssyncset.done $0x0  }
0x1c8: {  	[sflag:s15] =	ssyncadd.s32 $0xFFFFFFB0  }
0x1c9: {  	s24 =	stileid.u32;
	[bflag:$0x0] =	sbarrier.arrive $0xFFFF  }
0x1ca: {  	s5 =	sshll.u32 s24, $0x6;
	s24 =	simm.s32 $0xD;
	s20 =	rddreg [dreg:$0xd]  }
0x1cb: {  	s5 =	sor.u32 $0x1C0D, s5;
	s10 =	rddreg [dreg:$0xc];
	s31 =	sshrl.u32 s20, $0x3  }
0x1cc: {  	[hbm:s10], [sflag:s5] =	dma.local [spmem:s31], $0x2800  }
0x1cd: {  	s12 =	simm.s32 $0x20;
	_ =	swait.ge [sflag:s24], $0x2800  }
0x1ce: {  	s31 =	simm.s32 $0x10;
	[sflag:s24] =	ssyncset.done $0x0;
	s23 =	rddreg [dreg:$0xf]  }
0x1cf: {  	s10 =	rddreg [dreg:$0xe];
	[sflag:s24] =	ssyncadd.s32 $0xFFFFD800;
	s6 =	sshrl.u32 s23, $0x3  }
0x1d0: {  	[hbm:s10@s12], [sflag:s5] =	dma.strided [spmem:s6@s31], $0x50, s19, $0x10   }
0x1d1: {  	_ =	swait.ge [sflag:s24], $0x50  }
0x1d2: {  	s12 =	rddreg [dreg:$0x1c]  }
0x1d3: {  	s31 =	rddreg [dreg:$0x10];
	s6 =	sadd.s32 $0x1, s12  }
0x1d4: {  	p0 =	sne.s32 s6, s31  }
.Ltmp7:
0x1d5: {  	_ = 	snop;
	(pc) =	sbr.rel @p0 .LBB2_1-.Ltmp7, $3  }
0x1d6: {  	_ =	sdelay $0x1  }
0x1d7: {  	[sflag:s24] =	ssyncset.done $0x0  }
0x1d8: {  	[sflag:s24] =	ssyncadd.s32 $0xFFFFFFB0  }
0x1d9: {  	_ =	sfence.sel $0x180000  }
0x1da: {  	[bflag:$0x0] =	sbarrier.arrive $0xFFFF  }
0x1db: {  	_ =	strace $0x90000047  }
0x1dc: {  	s0 =	stileid.u32;
	[bflag:$0x2] =	sbarrier.arrive $0xFFFF  }
0x1dd: {  	p0 =	sne.s32 s0, $0x0;
	s0 =	rddreg [dreg:$0x5]  }
0x1de: {  	s0 =	sadd.s32 @!p0 $0x100000, s0  }
0x1df: {  	[sflag:s0] =	ssyncadd.tile.s32 @!p0 $0x1;
	_ =	shalt  }
.Lfunc_end2:
_tile_overlayer_lowered:
.L_overlay_start_2:
0x1e0: {  	(tag) =	ssettag $0x2  }
0x1e1: {  	s0 =	rddreg [dreg:$0x0];
	s2 =	stileid.u32  }
0x1e2: {  	s1 =	rddreg [dreg:$0x1];
	p0 =	sne.s32 s2, $0x0  }
0x1e3: {  	s3 =	rddreg [dreg:$0x2];
	[bflag:$0x3] =	sbarrier.arrive $0xFFFF;
	s2 =	simm.s32 @!p0 $0x1C0D  }
0x1e4: {  	[timem:s3], [sflag:s2] =	dma.local @!p0 [hbm:s0], s1  }
0x1e5: {  	s0 =	simm.s32 @!p0 $0xD  }
0x1e6: {  	_ =	swait.ge @!p0 [sflag:s0], s1  }
0x1e7: {  	s1 =	ssub.s32 @!p0 $0x0, s1;
	[sflag:s0] =	ssyncset.done @!p0 $0x0  }
0x1e8: {  	[sflag:s0] =	ssyncadd.s32 @!p0 s1  }
0x1e9: {  	[bflag:$0x3] =	sbarrier.arrive $0xFFFF  }
0x1ea: {  	_ =	shalt  }

</sc_bundles>
